<compile_context>
chip_gen: v7x
topology: tpu7x:2x2x1
jax: 0.10.2.dev20260603
libtpu: 0.0.44.dev20260713+nightly
codegen_flags: <defaults>
</compile_context>

<pallas_src>
import functools

import jax
import jax.numpy as jnp
from jax import lax
from jax.experimental import pallas as pl
from jax.experimental.pallas import tpu as pltpu
from jax.experimental.pallas import tpu_sc as plsc

N = 10000
D = 64
U = 4096
INV30 = 1.0 / 30.0

NC, NS = 2, 16
NW = NC * NS
CHUNK = U // NW

BLK_A = 256


def _winner_body(src_col_ref, src_row_ref, out_ref):
    a = src_col_ref[...]
    b = src_row_ref[...]
    eq = a == b
    j = lax.broadcasted_iota(jnp.int32, (BLK_A, U), 1)
    out_ref[...] = jnp.max(jnp.where(eq, j, -1), axis=1, keepdims=True)


def _make_winner(interpret=False):
    return pl.pallas_call(
        _winner_body,
        grid=(U // BLK_A,),
        in_specs=[
            pl.BlockSpec((BLK_A, 1), lambda i: (i, 0)),
            pl.BlockSpec((1, U), lambda i: (0, 0)),
        ],
        out_specs=pl.BlockSpec((BLK_A, 1), lambda i: (i, 0)),
        out_shape=jax.ShapeDtypeStruct((U, 1), jnp.int32),
        interpret=interpret,
    )


def _gather_body(src_h, w_h, mem_h, statp_h, msgp_h, lu_h, ts_h,
                 rows_o, statp_o, msgw_o, lug_o, tsw_o,
                 idx_v, widx_v, pidx_v, rows_v, stat_v, msg_v,
                 lu_all, ts_all, lug_v, tsw_v, sem):
    wid = lax.axis_index("s") * NC + lax.axis_index("c")
    base = wid * CHUNK
    i1 = pltpu.async_copy(src_h.at[pl.ds(base, CHUNK)], idx_v, sem)
    i2 = pltpu.async_copy(w_h.at[pl.ds(base, CHUNK)], widx_v, sem)
    i3 = pltpu.async_copy(lu_h, lu_all, sem)
    i4 = pltpu.async_copy(ts_h, ts_all, sem)
    i1.wait()
    i2.wait()
    i3.wait()
    i4.wait()
    for k in range(CHUNK // 16):
        iv = idx_v[pl.ds(16 * k, 16)]
        wv = widx_v[pl.ds(16 * k, 16)]
        pidx_v[pl.ds(16 * k, 16)] = lax.shift_right_logical(iv, 1)
        lug_v[pl.ds(16 * k, 16)] = plsc.load_gather(lu_all, [iv])
        tsw_v[pl.ds(16 * k, 16)] = plsc.load_gather(ts_all, [wv])
    c1 = pltpu.async_copy(mem_h.at[idx_v], rows_v, sem)
    c2 = pltpu.async_copy(statp_h.at[pidx_v], stat_v, sem)
    c3 = pltpu.async_copy(msgp_h.at[widx_v], msg_v, sem)
    c1.wait()
    c2.wait()
    c3.wait()
    o1 = pltpu.async_copy(rows_v, rows_o.at[pl.ds(base, CHUNK)], sem)
    o2 = pltpu.async_copy(stat_v, statp_o.at[pl.ds(base, CHUNK)], sem)
    o3 = pltpu.async_copy(msg_v, msgw_o.at[pl.ds(base, CHUNK)], sem)
    o4 = pltpu.async_copy(lug_v, lug_o.at[pl.ds(base, CHUNK)], sem)
    o5 = pltpu.async_copy(tsw_v, tsw_o.at[pl.ds(base, CHUNK)], sem)
    o1.wait()
    o2.wait()
    o3.wait()
    o4.wait()
    o5.wait()


def _make_gather(interpret=False):
    mesh = plsc.VectorSubcoreMesh(
        core_axis_name="c", subcore_axis_name="s",
        num_cores=NC, num_subcores=NS)
    return functools.partial(
        pl.kernel,
        out_type=(
            jax.ShapeDtypeStruct((U, 2 * D), jnp.float32),
            jax.ShapeDtypeStruct((U, 2 * D), jnp.float32),
            jax.ShapeDtypeStruct((U, 2 * D), jnp.float32),
            jax.ShapeDtypeStruct((U,), jnp.float32),
            jax.ShapeDtypeStruct((U,), jnp.float32),
        ),
        mesh=mesh,
        compiler_params=pltpu.CompilerParams(needs_layout_passes=False),
        scratch_types=[
            pltpu.VMEM((CHUNK,), jnp.int32),
            pltpu.VMEM((CHUNK,), jnp.int32),
            pltpu.VMEM((CHUNK,), jnp.int32),
            pltpu.VMEM((CHUNK, 2 * D), jnp.float32),
            pltpu.VMEM((CHUNK, 2 * D), jnp.float32),
            pltpu.VMEM((CHUNK, 2 * D), jnp.float32),
            pltpu.VMEM((N,), jnp.float32),
            pltpu.VMEM((U,), jnp.float32),
            pltpu.VMEM((CHUNK,), jnp.float32),
            pltpu.VMEM((CHUNK,), jnp.float32),
            pltpu.SemaphoreType.DMA,
        ],
        interpret=interpret,
    )(_gather_body)


def _mlp(x, w1, b1, w2, b2):
    h = jnp.dot(x, w1, preferred_element_type=jnp.float32) + b1
    h = jnp.where(h >= 0, h, 0.01 * h)
    h = jnp.dot(h, w2, preferred_element_type=jnp.float32) + b2
    return jnp.where(h >= 0, h, 0.01 * h)


BLK_F = 1024


def _fix_body(rows_ref, lug_ref, tsw_ref, msgw_ref, statp_ref, src_ref,
              w1_ref, b1_ref, w2_ref, b2_ref, el_ref, nt_ref, fix_ref):
    rows = rows_ref[...]
    tsw = tsw_ref[...]
    dec = jnp.exp((lug_ref[...] - tsw) * INV30)
    msg = msgw_ref[...]
    x = rows * dec
    upd = jnp.concatenate(
        [x[:, :D] + msg[:, :D], x[:, D:] + msg[:, D:D + 1]], axis=1)
    h = _mlp(upd, w1_ref[...], b1_ref[...], w2_ref[...], b2_ref[...])
    outdec = jnp.exp((tsw - nt_ref[...]) * INV30)
    statp = statp_ref[...]
    odd = (src_ref[...] & 1) == 1
    statg = jnp.where(odd, statp[:, D:], statp[:, :D])
    el = el_ref[...]
    fix = el * statg + (1.0 - el) * outdec * h
    fix_ref[...] = jnp.concatenate([fix, fix], axis=1)


def _make_fix(interpret=False):
    const = lambda i: (0, 0)
    return pl.pallas_call(
        _fix_body,
        grid=(U // BLK_F,),
        in_specs=[
            pl.BlockSpec((BLK_F, 2 * D), lambda i: (i, 0)),
            pl.BlockSpec((BLK_F, 1), lambda i: (i, 0)),
            pl.BlockSpec((BLK_F, 1), lambda i: (i, 0)),
            pl.BlockSpec((BLK_F, 2 * D), lambda i: (i, 0)),
            pl.BlockSpec((BLK_F, 2 * D), lambda i: (i, 0)),
            pl.BlockSpec((BLK_F, 1), lambda i: (i, 0)),
            pl.BlockSpec((2 * D, D), const),
            pl.BlockSpec((1, D), const),
            pl.BlockSpec((D, D), const),
            pl.BlockSpec((1, D), const),
            pl.BlockSpec((1, 1), const),
            pl.BlockSpec((1, 1), const),
        ],
        out_specs=pl.BlockSpec((BLK_F, 2 * D), lambda i: (i, 0)),
        out_shape=jax.ShapeDtypeStruct((U, 2 * D), jnp.float32),
        interpret=interpret,
    )


BLK_N = 1000


def _dense_body(mem_ref, lu_ref, stat_ref,
                w1_ref, b1_ref, w2_ref, b2_ref, el_ref, nt_ref, out_ref):
    h = _mlp(mem_ref[...], w1_ref[...], b1_ref[...], w2_ref[...], b2_ref[...])
    outdec = jnp.exp((lu_ref[...] - nt_ref[...]) * INV30)
    el = el_ref[...]
    res = el * stat_ref[...] + (1.0 - el) * outdec * h
    out_ref[...] = jnp.concatenate([res, res], axis=1)


def _make_dense(interpret=False):
    const = lambda i: (0, 0)
    return pl.pallas_call(
        _dense_body,
        grid=(N // BLK_N,),
        in_specs=[
            pl.BlockSpec((BLK_N, 2 * D), lambda i: (i, 0)),
            pl.BlockSpec((BLK_N, 1), lambda i: (i, 0)),
            pl.BlockSpec((BLK_N, D), lambda i: (i, 0)),
            pl.BlockSpec((2 * D, D), const),
            pl.BlockSpec((1, D), const),
            pl.BlockSpec((D, D), const),
            pl.BlockSpec((1, D), const),
            pl.BlockSpec((1, 1), const),
            pl.BlockSpec((1, 1), const),
        ],
        out_specs=pl.BlockSpec((BLK_N, 2 * D), lambda i: (i, 0)),
        out_shape=jax.ShapeDtypeStruct((N, 2 * D), jnp.float32),
        interpret=interpret,
    )


def _scatter_body(fixw_h, sidx_h, final_ref, fix_v, idx_v, sem):
    wid = lax.axis_index("s") * NC + lax.axis_index("c")
    pltpu.sync_copy(fixw_h.at[pl.ds(wid * CHUNK, CHUNK)], fix_v)
    pltpu.sync_copy(sidx_h.at[wid], idx_v)
    pltpu.async_copy(fix_v, final_ref.at[idx_v.at[0]], sem).wait()


def _make_scatter(interpret=False):
    mesh = plsc.VectorSubcoreMesh(
        core_axis_name="c", subcore_axis_name="s",
        num_cores=NC, num_subcores=NS)
    return functools.partial(
        pl.kernel,
        out_type=(),
        mesh=mesh,
        scratch_types=[
            pltpu.VMEM((CHUNK, 2 * D), jnp.float32),
            pltpu.VMEM((1, 128), jnp.int32),
            pltpu.SemaphoreType.DMA,
        ],
        interpret=interpret,
    )(_scatter_body)


_winner = _make_winner()
_gather = _make_gather()
_fix = _make_fix()
_dense = _make_dense()
_scatter = _make_scatter()


def kernel(source_nodes, now_time, unique_sources, unique_messages,
           unique_timestamps, memory, last_update, W1, b1, W2, b2,
           static_emb, e_lamb):
    src = unique_sources.astype(jnp.int32)
    ts = unique_timestamps.astype(jnp.float32)
    nt = jnp.asarray(now_time, jnp.float32).reshape(1, 1)
    el = e_lamb.reshape(1, 1)
    lu2d = last_update.reshape(N, 1)
    b1r = b1.reshape(1, D)
    b2r = b2.reshape(1, D)
    statp_view = static_emb.reshape(N // 2, 2 * D)
    msgp = jnp.pad(unique_messages, ((0, 0), (0, 2 * D - (D + 1))))

    w = _winner(src.reshape(U, 1), src.reshape(1, U))
    rows_g, statp_g, msgw_g, lug, tsw = _gather(
        src, w.reshape(U), memory, statp_view, msgp, last_update, ts)
    fixw = _fix(rows_g, lug.reshape(U, 1), tsw.reshape(U, 1), msgw_g,
                statp_g, src.reshape(U, 1), W1, b1r, W2, b2r, el, nt)
    dense_w = _dense(memory, lu2d, static_emb, W1, b1r, W2, b2r, el, nt)
    final_ref = jax.new_ref(dense_w)
    _scatter(fixw, src.reshape(NW, 1, 128), final_ref)
    return final_ref[...][:, :D]

# --- scband reference (transcript-rebuilt; emitter-appended) ---
"""Pipeline reference for scband-ctdg-encoder-63024350102033 (READ-ONLY COPY).

The authoritative reference and input builder live on the scoring server;
editing this copy changes nothing except your own understanding.
"""

import jax, jax.numpy as jnp
import numpy as np

N = 10000
D = 64
U = 4096
OUT = 30.0
LAMB = 30.0  # lamb * output = 1 * 30

def setup_inputs(seed: int = 0) -> dict:
    key = jax.random.key(seed)
    ks = jax.random.split(key, 10)
    source_nodes = jax.random.randint(ks[0], (U,), 0, N)
    now_time = 1
    unique_sources = jax.random.randint(ks[1], (U,), 0, N)
    unique_messages = jax.random.normal(ks[2], (U, D + 1), dtype=jnp.float32)
    unique_timestamps = jax.random.uniform(ks[3], (U,), dtype=jnp.float32)
    # learned / persistent state
    memory = jax.random.normal(ks[4], (N, 2 * D), dtype=jnp.float32) * 0.1
    last_update = jax.random.uniform(ks[5], (N,), dtype=jnp.float32)
    W1 = jax.random.normal(ks[6], (2 * D, D), dtype=jnp.float32) / jnp.sqrt(2.0 * D)
    b1 = jnp.zeros((D,), dtype=jnp.float32)
    W2 = jax.random.normal(ks[7], (D, D), dtype=jnp.float32) / jnp.sqrt(1.0 * D)
    b2 = jnp.zeros((D,), dtype=jnp.float32)
    static_emb = jax.random.normal(ks[8], (N, D), dtype=jnp.float32) * 0.1
    e_lamb = jnp.array([0.5], dtype=jnp.float32)
    return {
        "source_nodes": source_nodes,
        "now_time": now_time,
        "unique_sources": unique_sources,
        "unique_messages": unique_messages,
        "unique_timestamps": unique_timestamps,
        "memory": memory,
        "last_update": last_update,
        "W1": W1,
        "b1": b1,
        "W2": W2,
        "b2": b2,
        "static_emb": static_emb,
        "e_lamb": e_lamb,
    }

def reference(source_nodes, now_time, unique_sources, unique_messages, unique_timestamps,
              memory, last_update, W1, b1, W2, b2, static_emb, e_lamb):
    d = D
    # ExpMemoryUpdater.get_updated_memory: gather rows, exponentially decay, add message, scatter back
    decay = jnp.exp((last_update[unique_sources] - unique_timestamps) / LAMB)[:, None]
    num = memory[unique_sources, :d] * decay + unique_messages[:, :d]
    den = memory[unique_sources, d:] * decay + unique_messages[:, d:]  # ones-column broadcast
    updated_memory = memory.at[unique_sources, :d].set(num)
    updated_memory = updated_memory.at[unique_sources, d:].set(den)
    updated_last_update = last_update.at[unique_sources].set(unique_timestamps)
    # ExpLambsEmbedding over all n_nodes: split memory into two d-dim parts, concat back
    e0 = updated_memory[:, :d]
    e1 = updated_memory[:, d:]
    recent = jnp.concatenate([e0, e1], axis=-1)
    # embedding_transform: Linear -> LeakyReLU -> Linear -> LeakyReLU
    h = jax.nn.leaky_relu(recent @ W1 + b1, negative_slope=0.01)
    h = jax.nn.leaky_relu(h @ W2 + b2, negative_slope=0.01)
    recent_decayed = h * jnp.exp((updated_last_update - now_time) / OUT)[:, None]
    embeddings = e_lamb * static_emb + (1.0 - e_lamb) * recent_decayed
    return embeddings

if __name__ == "__main__":
    import jax
    _d = setup_inputs()
    print(jax.jit(kernel)(*tuple(_d.values())))

</pallas_src>

<mosaic_0001>
#map = affine_map<(d0, d1) -> (0)>
#map1 = affine_map<(d0, d1) -> (0, 0)>
module attributes {stable_mosaic.version = 14 : i64} {
  func.func @_gather_body(%arg0: i32, %arg1: i32, %arg2: memref<4096xi32, #tpu.memory_space<hbm>>, %arg3: memref<4096xi32, #tpu.memory_space<hbm>>, %arg4: memref<10000x128xf32, #tpu.memory_space<hbm>>, %arg5: memref<5000x128xf32, #tpu.memory_space<hbm>>, %arg6: memref<4096x128xf32, #tpu.memory_space<hbm>>, %arg7: memref<10000xf32, #tpu.memory_space<hbm>>, %arg8: memref<4096xf32, #tpu.memory_space<hbm>>, %arg9: memref<4096x128xf32, #tpu.memory_space<hbm>>, %arg10: memref<4096x128xf32, #tpu.memory_space<hbm>>, %arg11: memref<4096x128xf32, #tpu.memory_space<hbm>>, %arg12: memref<4096xf32, #tpu.memory_space<hbm>>, %arg13: memref<4096xf32, #tpu.memory_space<hbm>>, %arg14: memref<128xi32, #tpu.memory_space<vmem>>, %arg15: memref<128xi32, #tpu.memory_space<vmem>>, %arg16: memref<128xi32, #tpu.memory_space<vmem>>, %arg17: memref<128x128xf32, #tpu.memory_space<vmem>>, %arg18: memref<128x128xf32, #tpu.memory_space<vmem>>, %arg19: memref<128x128xf32, #tpu.memory_space<vmem>>, %arg20: memref<10000xf32, #tpu.memory_space<vmem>>, %arg21: memref<4096xf32, #tpu.memory_space<vmem>>, %arg22: memref<128xf32, #tpu.memory_space<vmem>>, %arg23: memref<128xf32, #tpu.memory_space<vmem>>, %arg24: memref<!tpu.dma_semaphore, #tpu.memory_space<semaphore_mem>>) attributes {dimension_semantics = [#tpu.dimension_semantics<core_parallel>, #tpu.dimension_semantics<subcore_parallel>], iteration_bounds = array<i64: 2, 16>, scalar_prefetch = 0 : i64, scratch_operands = 11 : i64, tpu.core_type = #tpu.core_type<sc_vector_subcore>, window_params = [{transform_indices = #map}, {transform_indices = #map}, {transform_indices = #map1}, {transform_indices = #map1}, {transform_indices = #map1}, {transform_indices = #map}, {transform_indices = #map}, {transform_indices = #map1}, {transform_indices = #map1}, {transform_indices = #map1}, {transform_indices = #map}, {transform_indices = #map}]} {
    %mul3A = arith.constant 2 : i32
    %mul3A_0 = arith.muli %arg1, %mul3A : i32
    %add3A = arith.addi %mul3A_0, %arg0 : i32
    %mul3A_1 = arith.constant 128 : i32
    %mul3A_2 = arith.muli %add3A, %mul3A_1 : i32
    %dma_start3A = tpu.memref_slice %arg2[%mul3A_2] : memref<4096xi32, #tpu.memory_space<hbm>> -> memref<128xi32, #tpu.memory_space<hbm>>
    %dma_start3A_3 = tpu.memref_slice %arg2[%mul3A_2] : memref<4096xi32, #tpu.memory_space<hbm>> -> memref<128xi32, #tpu.memory_space<hbm>>
    tpu.enqueue_dma source(%dma_start3A_3 : memref<128xi32, #tpu.memory_space<hbm>>) target(%arg14 : memref<128xi32, #tpu.memory_space<vmem>>) target_semaphore(%arg24 : memref<!tpu.dma_semaphore, #tpu.memory_space<semaphore_mem>>)
    %dma_start3A_4 = tpu.memref_slice %arg3[%mul3A_2] : memref<4096xi32, #tpu.memory_space<hbm>> -> memref<128xi32, #tpu.memory_space<hbm>>
    %dma_start3A_5 = tpu.memref_slice %arg3[%mul3A_2] : memref<4096xi32, #tpu.memory_space<hbm>> -> memref<128xi32, #tpu.memory_space<hbm>>
    tpu.enqueue_dma source(%dma_start3A_5 : memref<128xi32, #tpu.memory_space<hbm>>) target(%arg15 : memref<128xi32, #tpu.memory_space<vmem>>) target_semaphore(%arg24 : memref<!tpu.dma_semaphore, #tpu.memory_space<semaphore_mem>>)
    tpu.enqueue_dma source(%arg7 : memref<10000xf32, #tpu.memory_space<hbm>>) target(%arg20 : memref<10000xf32, #tpu.memory_space<vmem>>) target_semaphore(%arg24 : memref<!tpu.dma_semaphore, #tpu.memory_space<semaphore_mem>>)
    tpu.enqueue_dma source(%arg8 : memref<4096xf32, #tpu.memory_space<hbm>>) target(%arg21 : memref<4096xf32, #tpu.memory_space<vmem>>) target_semaphore(%arg24 : memref<!tpu.dma_semaphore, #tpu.memory_space<semaphore_mem>>)
    %dma_wait3A = tpu.memref_slice %arg2[%mul3A_2] : memref<4096xi32, #tpu.memory_space<hbm>> -> memref<128xi32, #tpu.memory_space<hbm>>
    %dma_wait3A_6 = tpu.memref_slice %arg2[%mul3A_2] : memref<4096xi32, #tpu.memory_space<hbm>> -> memref<128xi32, #tpu.memory_space<hbm>>
    tpu.wait_dma2 semaphore(%arg24 : memref<!tpu.dma_semaphore, #tpu.memory_space<semaphore_mem>>) src(%dma_wait3A_6 : memref<128xi32, #tpu.memory_space<hbm>>) dst(%arg14 : memref<128xi32, #tpu.memory_space<vmem>>)
    %dma_wait3A_7 = tpu.memref_slice %arg3[%mul3A_2] : memref<4096xi32, #tpu.memory_space<hbm>> -> memref<128xi32, #tpu.memory_space<hbm>>
    %dma_wait3A_8 = tpu.memref_slice %arg3[%mul3A_2] : memref<4096xi32, #tpu.memory_space<hbm>> -> memref<128xi32, #tpu.memory_space<hbm>>
    tpu.wait_dma2 semaphore(%arg24 : memref<!tpu.dma_semaphore, #tpu.memory_space<semaphore_mem>>) src(%dma_wait3A_8 : memref<128xi32, #tpu.memory_space<hbm>>) dst(%arg15 : memref<128xi32, #tpu.memory_space<vmem>>)
    tpu.wait_dma2 semaphore(%arg24 : memref<!tpu.dma_semaphore, #tpu.memory_space<semaphore_mem>>) src(%arg7 : memref<10000xf32, #tpu.memory_space<hbm>>) dst(%arg20 : memref<10000xf32, #tpu.memory_space<vmem>>)
    tpu.wait_dma2 semaphore(%arg24 : memref<!tpu.dma_semaphore, #tpu.memory_space<semaphore_mem>>) src(%arg8 : memref<4096xf32, #tpu.memory_space<hbm>>) dst(%arg21 : memref<4096xf32, #tpu.memory_space<vmem>>)
    %get3A = arith.constant 0 : index
    %get3A_9 = tpu.vector_load %arg14[%get3A] {strides = array<i32>} : memref<128xi32, #tpu.memory_space<vmem>>, vector<16xi32>,
    %get3A_10 = arith.constant 0 : index
    %get3A_11 = tpu.vector_load %arg15[%get3A_10] {strides = array<i32>} : memref<128xi32, #tpu.memory_space<vmem>>, vector<16xi32>,
    %shift_right_logical3A = arith.constant 1 : i32
    %shift_right_logical3A_12 = vector.broadcast %shift_right_logical3A : i32 to vector<16xi32>
    %shift_right_logical3A_13 = arith.shrui %get3A_9, %shift_right_logical3A_12 : vector<16xi32>
    %swap3A = arith.constant 0 : index
    %swap3A_14 = tpu.vector_load %arg16[%swap3A] {strides = array<i32>} : memref<128xi32, #tpu.memory_space<vmem>>, vector<16xi32>,
    tpu.vector_store %arg16[%swap3A], %shift_right_logical3A_13 {strides = array<i32>} : memref<128xi32, #tpu.memory_space<vmem>>, vector<16xi32>,
    %gather3A = tpu.vector_load_idx %arg20[%get3A_9] : memref<10000xf32, #tpu.memory_space<vmem>>[vector<16xi32>], vector<16xf32>,
    %swap3A_15 = arith.constant 0 : index
    %swap3A_16 = tpu.vector_load %arg22[%swap3A_15] {strides = array<i32>} : memref<128xf32, #tpu.memory_space<vmem>>, vector<16xf32>,
    tpu.vector_store %arg22[%swap3A_15], %gather3A {strides = array<i32>} : memref<128xf32, #tpu.memory_space<vmem>>, vector<16xf32>,
    %gather3A_17 = tpu.vector_load_idx %arg21[%get3A_11] : memref<4096xf32, #tpu.memory_space<vmem>>[vector<16xi32>], vector<16xf32>,
    %swap3A_18 = arith.constant 0 : index
    %swap3A_19 = tpu.vector_load %arg23[%swap3A_18] {strides = array<i32>} : memref<128xf32, #tpu.memory_space<vmem>>, vector<16xf32>,
    tpu.vector_store %arg23[%swap3A_18], %gather3A_17 {strides = array<i32>} : memref<128xf32, #tpu.memory_space<vmem>>, vector<16xf32>,
    %get3A_20 = arith.constant 16 : index
    %get3A_21 = tpu.vector_load %arg14[%get3A_20] {strides = array<i32>} : memref<128xi32, #tpu.memory_space<vmem>>, vector<16xi32>,
    %get3A_22 = arith.constant 16 : index
    %get3A_23 = tpu.vector_load %arg15[%get3A_22] {strides = array<i32>} : memref<128xi32, #tpu.memory_space<vmem>>, vector<16xi32>,
    %shift_right_logical3A_24 = arith.constant 1 : i32
    %shift_right_logical3A_25 = vector.broadcast %shift_right_logical3A_24 : i32 to vector<16xi32>
    %shift_right_logical3A_26 = arith.shrui %get3A_21, %shift_right_logical3A_25 : vector<16xi32>
    %swap3A_27 = arith.constant 16 : index
    %swap3A_28 = tpu.vector_load %arg16[%swap3A_27] {strides = array<i32>} : memref<128xi32, #tpu.memory_space<vmem>>, vector<16xi32>,
    tpu.vector_store %arg16[%swap3A_27], %shift_right_logical3A_26 {strides = array<i32>} : memref<128xi32, #tpu.memory_space<vmem>>, vector<16xi32>,
    %gather3A_29 = tpu.vector_load_idx %arg20[%get3A_21] : memref<10000xf32, #tpu.memory_space<vmem>>[vector<16xi32>], vector<16xf32>,
    %swap3A_30 = arith.constant 16 : index
    %swap3A_31 = tpu.vector_load %arg22[%swap3A_30] {strides = array<i32>} : memref<128xf32, #tpu.memory_space<vmem>>, vector<16xf32>,
    tpu.vector_store %arg22[%swap3A_30], %gather3A_29 {strides = array<i32>} : memref<128xf32, #tpu.memory_space<vmem>>, vector<16xf32>,
    %gather3A_32 = tpu.vector_load_idx %arg21[%get3A_23] : memref<4096xf32, #tpu.memory_space<vmem>>[vector<16xi32>], vector<16xf32>,
    %swap3A_33 = arith.constant 16 : index
    %swap3A_34 = tpu.vector_load %arg23[%swap3A_33] {strides = array<i32>} : memref<128xf32, #tpu.memory_space<vmem>>, vector<16xf32>,
    tpu.vector_store %arg23[%swap3A_33], %gather3A_32 {strides = array<i32>} : memref<128xf32, #tpu.memory_space<vmem>>, vector<16xf32>,
    %get3A_35 = arith.constant 32 : index
    %get3A_36 = tpu.vector_load %arg14[%get3A_35] {strides = array<i32>} : memref<128xi32, #tpu.memory_space<vmem>>, vector<16xi32>,
    %get3A_37 = arith.constant 32 : index
    %get3A_38 = tpu.vector_load %arg15[%get3A_37] {strides = array<i32>} : memref<128xi32, #tpu.memory_space<vmem>>, vector<16xi32>,
    %shift_right_logical3A_39 = arith.constant 1 : i32
    %shift_right_logical3A_40 = vector.broadcast %shift_right_logical3A_39 : i32 to vector<16xi32>
    %shift_right_logical3A_41 = arith.shrui %get3A_36, %shift_right_logical3A_40 : vector<16xi32>
    %swap3A_42 = arith.constant 32 : index
    %swap3A_43 = tpu.vector_load %arg16[%swap3A_42] {strides = array<i32>} : memref<128xi32, #tpu.memory_space<vmem>>, vector<16xi32>,
    tpu.vector_store %arg16[%swap3A_42], %shift_right_logical3A_41 {strides = array<i32>} : memref<128xi32, #tpu.memory_space<vmem>>, vector<16xi32>,
    %gather3A_44 = tpu.vector_load_idx %arg20[%get3A_36] : memref<10000xf32, #tpu.memory_space<vmem>>[vector<16xi32>], vector<16xf32>,
    %swap3A_45 = arith.constant 32 : index
    %swap3A_46 = tpu.vector_load %arg22[%swap3A_45] {strides = array<i32>} : memref<128xf32, #tpu.memory_space<vmem>>, vector<16xf32>,
    tpu.vector_store %arg22[%swap3A_45], %gather3A_44 {strides = array<i32>} : memref<128xf32, #tpu.memory_space<vmem>>, vector<16xf32>,
    %gather3A_47 = tpu.vector_load_idx %arg21[%get3A_38] : memref<4096xf32, #tpu.memory_space<vmem>>[vector<16xi32>], vector<16xf32>,
    %swap3A_48 = arith.constant 32 : index
    %swap3A_49 = tpu.vector_load %arg23[%swap3A_48] {strides = array<i32>} : memref<128xf32, #tpu.memory_space<vmem>>, vector<16xf32>,
    tpu.vector_store %arg23[%swap3A_48], %gather3A_47 {strides = array<i32>} : memref<128xf32, #tpu.memory_space<vmem>>, vector<16xf32>,
    %get3A_50 = arith.constant 48 : index
    %get3A_51 = tpu.vector_load %arg14[%get3A_50] {strides = array<i32>} : memref<128xi32, #tpu.memory_space<vmem>>, vector<16xi32>,
    %get3A_52 = arith.constant 48 : index
    %get3A_53 = tpu.vector_load %arg15[%get3A_52] {strides = array<i32>} : memref<128xi32, #tpu.memory_space<vmem>>, vector<16xi32>,
    %shift_right_logical3A_54 = arith.constant 1 : i32
    %shift_right_logical3A_55 = vector.broadcast %shift_right_logical3A_54 : i32 to vector<16xi32>
    %shift_right_logical3A_56 = arith.shrui %get3A_51, %shift_right_logical3A_55 : vector<16xi32>
    %swap3A_57 = arith.constant 48 : index
    %swap3A_58 = tpu.vector_load %arg16[%swap3A_57] {strides = array<i32>} : memref<128xi32, #tpu.memory_space<vmem>>, vector<16xi32>,
    tpu.vector_store %arg16[%swap3A_57], %shift_right_logical3A_56 {strides = array<i32>} : memref<128xi32, #tpu.memory_space<vmem>>, vector<16xi32>,
    %gather3A_59 = tpu.vector_load_idx %arg20[%get3A_51] : memref<10000xf32, #tpu.memory_space<vmem>>[vector<16xi32>], vector<16xf32>,
    %swap3A_60 = arith.constant 48 : index
    %swap3A_61 = tpu.vector_load %arg22[%swap3A_60] {strides = array<i32>} : memref<128xf32, #tpu.memory_space<vmem>>, vector<16xf32>,
    tpu.vector_store %arg22[%swap3A_60], %gather3A_59 {strides = array<i32>} : memref<128xf32, #tpu.memory_space<vmem>>, vector<16xf32>,
    %gather3A_62 = tpu.vector_load_idx %arg21[%get3A_53] : memref<4096xf32, #tpu.memory_space<vmem>>[vector<16xi32>], vector<16xf32>,
    %swap3A_63 = arith.constant 48 : index
    %swap3A_64 = tpu.vector_load %arg23[%swap3A_63] {strides = array<i32>} : memref<128xf32, #tpu.memory_space<vmem>>, vector<16xf32>,
    tpu.vector_store %arg23[%swap3A_63], %gather3A_62 {strides = array<i32>} : memref<128xf32, #tpu.memory_space<vmem>>, vector<16xf32>,
    %get3A_65 = arith.constant 64 : index
    %get3A_66 = tpu.vector_load %arg14[%get3A_65] {strides = array<i32>} : memref<128xi32, #tpu.memory_space<vmem>>, vector<16xi32>,
    %get3A_67 = arith.constant 64 : index
    %get3A_68 = tpu.vector_load %arg15[%get3A_67] {strides = array<i32>} : memref<128xi32, #tpu.memory_space<vmem>>, vector<16xi32>,
    %shift_right_logical3A_69 = arith.constant 1 : i32
    %shift_right_logical3A_70 = vector.broadcast %shift_right_logical3A_69 : i32 to vector<16xi32>
    %shift_right_logical3A_71 = arith.shrui %get3A_66, %shift_right_logical3A_70 : vector<16xi32>
    %swap3A_72 = arith.constant 64 : index
    %swap3A_73 = tpu.vector_load %arg16[%swap3A_72] {strides = array<i32>} : memref<128xi32, #tpu.memory_space<vmem>>, vector<16xi32>,
    tpu.vector_store %arg16[%swap3A_72], %shift_right_logical3A_71 {strides = array<i32>} : memref<128xi32, #tpu.memory_space<vmem>>, vector<16xi32>,
    %gather3A_74 = tpu.vector_load_idx %arg20[%get3A_66] : memref<10000xf32, #tpu.memory_space<vmem>>[vector<16xi32>], vector<16xf32>,
    %swap3A_75 = arith.constant 64 : index
    %swap3A_76 = tpu.vector_load %arg22[%swap3A_75] {strides = array<i32>} : memref<128xf32, #tpu.memory_space<vmem>>, vector<16xf32>,
    tpu.vector_store %arg22[%swap3A_75], %gather3A_74 {strides = array<i32>} : memref<128xf32, #tpu.memory_space<vmem>>, vector<16xf32>,
    %gather3A_77 = tpu.vector_load_idx %arg21[%get3A_68] : memref<4096xf32, #tpu.memory_space<vmem>>[vector<16xi32>], vector<16xf32>,
    %swap3A_78 = arith.constant 64 : index
    %swap3A_79 = tpu.vector_load %arg23[%swap3A_78] {strides = array<i32>} : memref<128xf32, #tpu.memory_space<vmem>>, vector<16xf32>,
    tpu.vector_store %arg23[%swap3A_78], %gather3A_77 {strides = array<i32>} : memref<128xf32, #tpu.memory_space<vmem>>, vector<16xf32>,
    %get3A_80 = arith.constant 80 : index
    %get3A_81 = tpu.vector_load %arg14[%get3A_80] {strides = array<i32>} : memref<128xi32, #tpu.memory_space<vmem>>, vector<16xi32>,
    %get3A_82 = arith.constant 80 : index
    %get3A_83 = tpu.vector_load %arg15[%get3A_82] {strides = array<i32>} : memref<128xi32, #tpu.memory_space<vmem>>, vector<16xi32>,
    %shift_right_logical3A_84 = arith.constant 1 : i32
    %shift_right_logical3A_85 = vector.broadcast %shift_right_logical3A_84 : i32 to vector<16xi32>
    %shift_right_logical3A_86 = arith.shrui %get3A_81, %shift_right_logical3A_85 : vector<16xi32>
    %swap3A_87 = arith.constant 80 : index
    %swap3A_88 = tpu.vector_load %arg16[%swap3A_87] {strides = array<i32>} : memref<128xi32, #tpu.memory_space<vmem>>, vector<16xi32>,
    tpu.vector_store %arg16[%swap3A_87], %shift_right_logical3A_86 {strides = array<i32>} : memref<128xi32, #tpu.memory_space<vmem>>, vector<16xi32>,
    %gather3A_89 = tpu.vector_load_idx %arg20[%get3A_81] : memref<10000xf32, #tpu.memory_space<vmem>>[vector<16xi32>], vector<16xf32>,
    %swap3A_90 = arith.constant 80 : index
    %swap3A_91 = tpu.vector_load %arg22[%swap3A_90] {strides = array<i32>} : memref<128xf32, #tpu.memory_space<vmem>>, vector<16xf32>,
    tpu.vector_store %arg22[%swap3A_90], %gather3A_89 {strides = array<i32>} : memref<128xf32, #tpu.memory_space<vmem>>, vector<16xf32>,
    %gather3A_92 = tpu.vector_load_idx %arg21[%get3A_83] : memref<4096xf32, #tpu.memory_space<vmem>>[vector<16xi32>], vector<16xf32>,
    %swap3A_93 = arith.constant 80 : index
    %swap3A_94 = tpu.vector_load %arg23[%swap3A_93] {strides = array<i32>} : memref<128xf32, #tpu.memory_space<vmem>>, vector<16xf32>,
    tpu.vector_store %arg23[%swap3A_93], %gather3A_92 {strides = array<i32>} : memref<128xf32, #tpu.memory_space<vmem>>, vector<16xf32>,
    %get3A_95 = arith.constant 96 : index
    %get3A_96 = tpu.vector_load %arg14[%get3A_95] {strides = array<i32>} : memref<128xi32, #tpu.memory_space<vmem>>, vector<16xi32>,
    %get3A_97 = arith.constant 96 : index
    %get3A_98 = tpu.vector_load %arg15[%get3A_97] {strides = array<i32>} : memref<128xi32, #tpu.memory_space<vmem>>, vector<16xi32>,
    %shift_right_logical3A_99 = arith.constant 1 : i32
    %shift_right_logical3A_100 = vector.broadcast %shift_right_logical3A_99 : i32 to vector<16xi32>
    %shift_right_logical3A_101 = arith.shrui %get3A_96, %shift_right_logical3A_100 : vector<16xi32>
    %swap3A_102 = arith.constant 96 : index
    %swap3A_103 = tpu.vector_load %arg16[%swap3A_102] {strides = array<i32>} : memref<128xi32, #tpu.memory_space<vmem>>, vector<16xi32>,
    tpu.vector_store %arg16[%swap3A_102], %shift_right_logical3A_101 {strides = array<i32>} : memref<128xi32, #tpu.memory_space<vmem>>, vector<16xi32>,
    %gather3A_104 = tpu.vector_load_idx %arg20[%get3A_96] : memref<10000xf32, #tpu.memory_space<vmem>>[vector<16xi32>], vector<16xf32>,
    %swap3A_105 = arith.constant 96 : index
    %swap3A_106 = tpu.vector_load %arg22[%swap3A_105] {strides = array<i32>} : memref<128xf32, #tpu.memory_space<vmem>>, vector<16xf32>,
    tpu.vector_store %arg22[%swap3A_105], %gather3A_104 {strides = array<i32>} : memref<128xf32, #tpu.memory_space<vmem>>, vector<16xf32>,
    %gather3A_107 = tpu.vector_load_idx %arg21[%get3A_98] : memref<4096xf32, #tpu.memory_space<vmem>>[vector<16xi32>], vector<16xf32>,
    %swap3A_108 = arith.constant 96 : index
    %swap3A_109 = tpu.vector_load %arg23[%swap3A_108] {strides = array<i32>} : memref<128xf32, #tpu.memory_space<vmem>>, vector<16xf32>,
    tpu.vector_store %arg23[%swap3A_108], %gather3A_107 {strides = array<i32>} : memref<128xf32, #tpu.memory_space<vmem>>, vector<16xf32>,
    %get3A_110 = arith.constant 112 : index
    %get3A_111 = tpu.vector_load %arg14[%get3A_110] {strides = array<i32>} : memref<128xi32, #tpu.memory_space<vmem>>, vector<16xi32>,
    %get3A_112 = arith.constant 112 : index
    %get3A_113 = tpu.vector_load %arg15[%get3A_112] {strides = array<i32>} : memref<128xi32, #tpu.memory_space<vmem>>, vector<16xi32>,
    %shift_right_logical3A_114 = arith.constant 1 : i32
    %shift_right_logical3A_115 = vector.broadcast %shift_right_logical3A_114 : i32 to vector<16xi32>
    %shift_right_logical3A_116 = arith.shrui %get3A_111, %shift_right_logical3A_115 : vector<16xi32>
    %swap3A_117 = arith.constant 112 : index
    %swap3A_118 = tpu.vector_load %arg16[%swap3A_117] {strides = array<i32>} : memref<128xi32, #tpu.memory_space<vmem>>, vector<16xi32>,
    tpu.vector_store %arg16[%swap3A_117], %shift_right_logical3A_116 {strides = array<i32>} : memref<128xi32, #tpu.memory_space<vmem>>, vector<16xi32>,
    %gather3A_119 = tpu.vector_load_idx %arg20[%get3A_111] : memref<10000xf32, #tpu.memory_space<vmem>>[vector<16xi32>], vector<16xf32>,
    %swap3A_120 = arith.constant 112 : index
    %swap3A_121 = tpu.vector_load %arg22[%swap3A_120] {strides = array<i32>} : memref<128xf32, #tpu.memory_space<vmem>>, vector<16xf32>,
    tpu.vector_store %arg22[%swap3A_120], %gather3A_119 {strides = array<i32>} : memref<128xf32, #tpu.memory_space<vmem>>, vector<16xf32>,
    %gather3A_122 = tpu.vector_load_idx %arg21[%get3A_113] : memref<4096xf32, #tpu.memory_space<vmem>>[vector<16xi32>], vector<16xf32>,
    %swap3A_123 = arith.constant 112 : index
    %swap3A_124 = tpu.vector_load %arg23[%swap3A_123] {strides = array<i32>} : memref<128xf32, #tpu.memory_space<vmem>>, vector<16xf32>,
    tpu.vector_store %arg23[%swap3A_123], %gather3A_122 {strides = array<i32>} : memref<128xf32, #tpu.memory_space<vmem>>, vector<16xf32>,
    %dma_start3A_125 = arith.constant 0 : i32
    %dma_start3A_126 = arith.constant 0 : i32
    %dma_start3A_127 = tpu.memref_slice %arg4[%dma_start3A_125, %dma_start3A_126] : memref<10000x128xf32, #tpu.memory_space<hbm>> -> memref<10000x128xf32, #tpu.memory_space<hbm>>
    tpu.enqueue_indirect_dma source(%dma_start3A_127 : memref<10000x128xf32, #tpu.memory_space<hbm>>) target(%arg17 : memref<128x128xf32, #tpu.memory_space<vmem>>) offsets(%arg14 : memref<128xi32, #tpu.memory_space<vmem>>) semaphore(%arg24 : memref<!tpu.dma_semaphore, #tpu.memory_space<semaphore_mem>>)
    %dma_start3A_128 = arith.constant 0 : i32
    %dma_start3A_129 = arith.constant 0 : i32
    %dma_start3A_130 = tpu.memref_slice %arg5[%dma_start3A_128, %dma_start3A_129] : memref<5000x128xf32, #tpu.memory_space<hbm>> -> memref<5000x128xf32, #tpu.memory_space<hbm>>
    tpu.enqueue_indirect_dma source(%dma_start3A_130 : memref<5000x128xf32, #tpu.memory_space<hbm>>) target(%arg18 : memref<128x128xf32, #tpu.memory_space<vmem>>) offsets(%arg16 : memref<128xi32, #tpu.memory_space<vmem>>) semaphore(%arg24 : memref<!tpu.dma_semaphore, #tpu.memory_space<semaphore_mem>>)
    %dma_start3A_131 = arith.constant 0 : i32
    %dma_start3A_132 = arith.constant 0 : i32
    %dma_start3A_133 = tpu.memref_slice %arg6[%dma_start3A_131, %dma_start3A_132] : memref<4096x128xf32, #tpu.memory_space<hbm>> -> memref<4096x128xf32, #tpu.memory_space<hbm>>
    tpu.enqueue_indirect_dma source(%dma_start3A_133 : memref<4096x128xf32, #tpu.memory_space<hbm>>) target(%arg19 : memref<128x128xf32, #tpu.memory_space<vmem>>) offsets(%arg15 : memref<128xi32, #tpu.memory_space<vmem>>) semaphore(%arg24 : memref<!tpu.dma_semaphore, #tpu.memory_space<semaphore_mem>>)
    %dma_wait3A_134 = arith.constant 0 : i32
    %dma_wait3A_135 = arith.constant 0 : i32
    %dma_wait3A_136 = tpu.memref_slice %arg4[%dma_wait3A_134, %dma_wait3A_135] : memref<10000x128xf32, #tpu.memory_space<hbm>> -> memref<10000x128xf32, #tpu.memory_space<hbm>>
    tpu.wait_indirect_dma semaphore(%arg24 : memref<!tpu.dma_semaphore, #tpu.memory_space<semaphore_mem>>) src(%dma_wait3A_136 : memref<10000x128xf32, #tpu.memory_space<hbm>>) dst(%arg17 : memref<128x128xf32, #tpu.memory_space<vmem>>)
    %dma_wait3A_137 = arith.constant 0 : i32
    %dma_wait3A_138 = arith.constant 0 : i32
    %dma_wait3A_139 = tpu.memref_slice %arg5[%dma_wait3A_137, %dma_wait3A_138] : memref<5000x128xf32, #tpu.memory_space<hbm>> -> memref<5000x128xf32, #tpu.memory_space<hbm>>
    tpu.wait_indirect_dma semaphore(%arg24 : memref<!tpu.dma_semaphore, #tpu.memory_space<semaphore_mem>>) src(%dma_wait3A_139 : memref<5000x128xf32, #tpu.memory_space<hbm>>) dst(%arg18 : memref<128x128xf32, #tpu.memory_space<vmem>>)
    %dma_wait3A_140 = arith.constant 0 : i32
    %dma_wait3A_141 = arith.constant 0 : i32
    %dma_wait3A_142 = tpu.memref_slice %arg6[%dma_wait3A_140, %dma_wait3A_141] : memref<4096x128xf32, #tpu.memory_space<hbm>> -> memref<4096x128xf32, #tpu.memory_space<hbm>>
    tpu.wait_indirect_dma semaphore(%arg24 : memref<!tpu.dma_semaphore, #tpu.memory_space<semaphore_mem>>) src(%dma_wait3A_142 : memref<4096x128xf32, #tpu.memory_space<hbm>>) dst(%arg19 : memref<128x128xf32, #tpu.memory_space<vmem>>)
    %dma_start3A_143 = arith.constant 0 : i32
    %dma_start3A_144 = tpu.memref_slice %arg9[%mul3A_2, %dma_start3A_143] : memref<4096x128xf32, #tpu.memory_space<hbm>> -> memref<128x128xf32, #tpu.memory_space<hbm>>
    %dma_start3A_145 = arith.constant 0 : i32
    %dma_start3A_146 = tpu.memref_slice %arg9[%mul3A_2, %dma_start3A_145] : memref<4096x128xf32, #tpu.memory_space<hbm>> -> memref<128x128xf32, #tpu.memory_space<hbm>>
    tpu.enqueue_dma source(%arg17 : memref<128x128xf32, #tpu.memory_space<vmem>>) target(%dma_start3A_146 : memref<128x128xf32, #tpu.memory_space<hbm>>) target_semaphore(%arg24 : memref<!tpu.dma_semaphore, #tpu.memory_space<semaphore_mem>>)
    %dma_start3A_147 = arith.constant 0 : i32
    %dma_start3A_148 = tpu.memref_slice %arg10[%mul3A_2, %dma_start3A_147] : memref<4096x128xf32, #tpu.memory_space<hbm>> -> memref<128x128xf32, #tpu.memory_space<hbm>>
    %dma_start3A_149 = arith.constant 0 : i32
    %dma_start3A_150 = tpu.memref_slice %arg10[%mul3A_2, %dma_start3A_149] : memref<4096x128xf32, #tpu.memory_space<hbm>> -> memref<128x128xf32, #tpu.memory_space<hbm>>
    tpu.enqueue_dma source(%arg18 : memref<128x128xf32, #tpu.memory_space<vmem>>) target(%dma_start3A_150 : memref<128x128xf32, #tpu.memory_space<hbm>>) target_semaphore(%arg24 : memref<!tpu.dma_semaphore, #tpu.memory_space<semaphore_mem>>)
    %dma_start3A_151 = arith.constant 0 : i32
    %dma_start3A_152 = tpu.memref_slice %arg11[%mul3A_2, %dma_start3A_151] : memref<4096x128xf32, #tpu.memory_space<hbm>> -> memref<128x128xf32, #tpu.memory_space<hbm>>
    %dma_start3A_153 = arith.constant 0 : i32
    %dma_start3A_154 = tpu.memref_slice %arg11[%mul3A_2, %dma_start3A_153] : memref<4096x128xf32, #tpu.memory_space<hbm>> -> memref<128x128xf32, #tpu.memory_space<hbm>>
    tpu.enqueue_dma source(%arg19 : memref<128x128xf32, #tpu.memory_space<vmem>>) target(%dma_start3A_154 : memref<128x128xf32, #tpu.memory_space<hbm>>) target_semaphore(%arg24 : memref<!tpu.dma_semaphore, #tpu.memory_space<semaphore_mem>>)
    %dma_start3A_155 = tpu.memref_slice %arg12[%mul3A_2] : memref<4096xf32, #tpu.memory_space<hbm>> -> memref<128xf32, #tpu.memory_space<hbm>>
    %dma_start3A_156 = tpu.memref_slice %arg12[%mul3A_2] : memref<4096xf32, #tpu.memory_space<hbm>> -> memref<128xf32, #tpu.memory_space<hbm>>
    tpu.enqueue_dma source(%arg22 : memref<128xf32, #tpu.memory_space<vmem>>) target(%dma_start3A_156 : memref<128xf32, #tpu.memory_space<hbm>>) target_semaphore(%arg24 : memref<!tpu.dma_semaphore, #tpu.memory_space<semaphore_mem>>)
    %dma_start3A_157 = tpu.memref_slice %arg13[%mul3A_2] : memref<4096xf32, #tpu.memory_space<hbm>> -> memref<128xf32, #tpu.memory_space<hbm>>
    %dma_start3A_158 = tpu.memref_slice %arg13[%mul3A_2] : memref<4096xf32, #tpu.memory_space<hbm>> -> memref<128xf32, #tpu.memory_space<hbm>>
    tpu.enqueue_dma source(%arg23 : memref<128xf32, #tpu.memory_space<vmem>>) target(%dma_start3A_158 : memref<128xf32, #tpu.memory_space<hbm>>) target_semaphore(%arg24 : memref<!tpu.dma_semaphore, #tpu.memory_space<semaphore_mem>>)
    %dma_wait3A_159 = arith.constant 0 : i32
    %dma_wait3A_160 = tpu.memref_slice %arg9[%mul3A_2, %dma_wait3A_159] : memref<4096x128xf32, #tpu.memory_space<hbm>> -> memref<128x128xf32, #tpu.memory_space<hbm>>
    %dma_wait3A_161 = arith.constant 0 : i32
    %dma_wait3A_162 = tpu.memref_slice %arg9[%mul3A_2, %dma_wait3A_161] : memref<4096x128xf32, #tpu.memory_space<hbm>> -> memref<128x128xf32, #tpu.memory_space<hbm>>
    tpu.wait_dma2 semaphore(%arg24 : memref<!tpu.dma_semaphore, #tpu.memory_space<semaphore_mem>>) src(%arg17 : memref<128x128xf32, #tpu.memory_space<vmem>>) dst(%dma_wait3A_162 : memref<128x128xf32, #tpu.memory_space<hbm>>)
    %dma_wait3A_163 = arith.constant 0 : i32
    %dma_wait3A_164 = tpu.memref_slice %arg10[%mul3A_2, %dma_wait3A_163] : memref<4096x128xf32, #tpu.memory_space<hbm>> -> memref<128x128xf32, #tpu.memory_space<hbm>>
    %dma_wait3A_165 = arith.constant 0 : i32
    %dma_wait3A_166 = tpu.memref_slice %arg10[%mul3A_2, %dma_wait3A_165] : memref<4096x128xf32, #tpu.memory_space<hbm>> -> memref<128x128xf32, #tpu.memory_space<hbm>>
    tpu.wait_dma2 semaphore(%arg24 : memref<!tpu.dma_semaphore, #tpu.memory_space<semaphore_mem>>) src(%arg18 : memref<128x128xf32, #tpu.memory_space<vmem>>) dst(%dma_wait3A_166 : memref<128x128xf32, #tpu.memory_space<hbm>>)
    %dma_wait3A_167 = arith.constant 0 : i32
    %dma_wait3A_168 = tpu.memref_slice %arg11[%mul3A_2, %dma_wait3A_167] : memref<4096x128xf32, #tpu.memory_space<hbm>> -> memref<128x128xf32, #tpu.memory_space<hbm>>
    %dma_wait3A_169 = arith.constant 0 : i32
    %dma_wait3A_170 = tpu.memref_slice %arg11[%mul3A_2, %dma_wait3A_169] : memref<4096x128xf32, #tpu.memory_space<hbm>> -> memref<128x128xf32, #tpu.memory_space<hbm>>
    tpu.wait_dma2 semaphore(%arg24 : memref<!tpu.dma_semaphore, #tpu.memory_space<semaphore_mem>>) src(%arg19 : memref<128x128xf32, #tpu.memory_space<vmem>>) dst(%dma_wait3A_170 : memref<128x128xf32, #tpu.memory_space<hbm>>)
    %dma_wait3A_171 = tpu.memref_slice %arg12[%mul3A_2] : memref<4096xf32, #tpu.memory_space<hbm>> -> memref<128xf32, #tpu.memory_space<hbm>>
    %dma_wait3A_172 = tpu.memref_slice %arg12[%mul3A_2] : memref<4096xf32, #tpu.memory_space<hbm>> -> memref<128xf32, #tpu.memory_space<hbm>>
    tpu.wait_dma2 semaphore(%arg24 : memref<!tpu.dma_semaphore, #tpu.memory_space<semaphore_mem>>) src(%arg22 : memref<128xf32, #tpu.memory_space<vmem>>) dst(%dma_wait3A_172 : memref<128xf32, #tpu.memory_space<hbm>>)
    %dma_wait3A_173 = tpu.memref_slice %arg13[%mul3A_2] : memref<4096xf32, #tpu.memory_space<hbm>> -> memref<128xf32, #tpu.memory_space<hbm>>
    %dma_wait3A_174 = tpu.memref_slice %arg13[%mul3A_2] : memref<4096xf32, #tpu.memory_space<hbm>> -> memref<128xf32, #tpu.memory_space<hbm>>
    tpu.wait_dma2 semaphore(%arg24 : memref<!tpu.dma_semaphore, #tpu.memory_space<semaphore_mem>>) src(%arg23 : memref<128xf32, #tpu.memory_space<vmem>>) dst(%dma_wait3A_174 : memref<128xf32, #tpu.memory_space<hbm>>)
    return
  }
}

#map = affine_map<(d0, d1) -> (0, 0)>
#map1 = affine_map<(d0, d1) -> (0, 0, 0)>
module attributes {stable_mosaic.version = 14 : i64} {
  func.func @new_body(%arg0: i32, %arg1: i32, %arg2: memref<4096x128xf32, #tpu.memory_space<hbm>>, %arg3: memref<32x1x128xi32, #tpu.memory_space<hbm>>, %arg4: memref<10000x128xf32, #tpu.memory_space<hbm>>, %arg5: memref<10000x128xf32, #tpu.memory_space<hbm>>, %arg6: memref<128x128xf32, #tpu.memory_space<vmem>>, %arg7: memref<1x128xi32, #tpu.memory_space<vmem>>, %arg8: memref<!tpu.dma_semaphore, #tpu.memory_space<semaphore_mem>>) attributes {dimension_semantics = [#tpu.dimension_semantics<core_parallel>, #tpu.dimension_semantics<subcore_parallel>], iteration_bounds = array<i64: 2, 16>, scalar_prefetch = 0 : i64, scratch_operands = 3 : i64, tpu.core_type = #tpu.core_type<sc_vector_subcore>, window_params = [{transform_indices = #map}, {transform_indices = #map1}, {transform_indices = #map}, {transform_indices = #map}]} {
    %mul3A = arith.constant 2 : i32
    %mul3A_0 = arith.muli %arg1, %mul3A : i32
    %add3A = arith.addi %mul3A_0, %arg0 : i32
    %mul3A_1 = arith.constant 128 : i32
    %mul3A_2 = arith.muli %add3A, %mul3A_1 : i32
    "tpu.region"() ({
      %run_scoped3A = tpu.sem_alloc : memref<!tpu.dma_semaphore, #tpu.memory_space<semaphore_mem>>
      %dma_start3A_15 = arith.constant 0 : i32
      %dma_start3A_16 = tpu.memref_slice %arg2[%mul3A_2, %dma_start3A_15] : memref<4096x128xf32, #tpu.memory_space<hbm>> -> memref<128x128xf32, #tpu.memory_space<hbm>>
      %dma_start3A_17 = arith.constant 0 : i32
      %dma_start3A_18 = tpu.memref_slice %arg2[%mul3A_2, %dma_start3A_17] : memref<4096x128xf32, #tpu.memory_space<hbm>> -> memref<128x128xf32, #tpu.memory_space<hbm>>
      tpu.enqueue_dma source(%dma_start3A_18 : memref<128x128xf32, #tpu.memory_space<hbm>>) target(%arg6 : memref<128x128xf32, #tpu.memory_space<vmem>>) target_semaphore(%run_scoped3A : memref<!tpu.dma_semaphore, #tpu.memory_space<semaphore_mem>>)
      %dma_wait3A_19 = arith.constant 0 : i32
      %dma_wait3A_20 = tpu.memref_slice %arg2[%mul3A_2, %dma_wait3A_19] : memref<4096x128xf32, #tpu.memory_space<hbm>> -> memref<128x128xf32, #tpu.memory_space<hbm>>
      %dma_wait3A_21 = arith.constant 0 : i32
      %dma_wait3A_22 = tpu.memref_slice %arg2[%mul3A_2, %dma_wait3A_21] : memref<4096x128xf32, #tpu.memory_space<hbm>> -> memref<128x128xf32, #tpu.memory_space<hbm>>
      tpu.wait_dma2 semaphore(%run_scoped3A : memref<!tpu.dma_semaphore, #tpu.memory_space<semaphore_mem>>) src(%dma_wait3A_22 : memref<128x128xf32, #tpu.memory_space<hbm>>) dst(%arg6 : memref<128x128xf32, #tpu.memory_space<vmem>>)
      tpu.yield
    }) : () -> ()
    "tpu.region"() ({
      %run_scoped3A = tpu.sem_alloc : memref<!tpu.dma_semaphore, #tpu.memory_space<semaphore_mem>>
      %dma_start3A_15 = arith.constant 0 : i32
      %dma_start3A_16 = arith.constant 0 : i32
      %dma_start3A_17 = tpu.memref_slice %arg3[%add3A, %dma_start3A_15, %dma_start3A_16] : memref<32x1x128xi32, #tpu.memory_space<hbm>> -> memref<1x1x128xi32, #tpu.memory_space<hbm>>
      %dma_start3A_18 = tpu.memref_squeeze %dma_start3A_17 : memref<1x1x128xi32, #tpu.memory_space<hbm>> -> memref<1x128xi32, #tpu.memory_space<hbm>>
      %dma_start3A_19 = arith.constant 0 : i32
      %dma_start3A_20 = arith.constant 0 : i32
      %dma_start3A_21 = tpu.memref_slice %arg3[%add3A, %dma_start3A_19, %dma_start3A_20] : memref<32x1x128xi32, #tpu.memory_space<hbm>> -> memref<1x1x128xi32, #tpu.memory_space<hbm>>
      %dma_start3A_22 = tpu.memref_squeeze %dma_start3A_21 : memref<1x1x128xi32, #tpu.memory_space<hbm>> -> memref<1x128xi32, #tpu.memory_space<hbm>>
      tpu.enqueue_dma source(%dma_start3A_22 : memref<1x128xi32, #tpu.memory_space<hbm>>) target(%arg7 : memref<1x128xi32, #tpu.memory_space<vmem>>) target_semaphore(%run_scoped3A : memref<!tpu.dma_semaphore, #tpu.memory_space<semaphore_mem>>)
      %dma_wait3A_23 = arith.constant 0 : i32
      %dma_wait3A_24 = arith.constant 0 : i32
      %dma_wait3A_25 = tpu.memref_slice %arg3[%add3A, %dma_wait3A_23, %dma_wait3A_24] : memref<32x1x128xi32, #tpu.memory_space<hbm>> -> memref<1x1x128xi32, #tpu.memory_space<hbm>>
      %dma_wait3A_26 = tpu.memref_squeeze %dma_wait3A_25 : memref<1x1x128xi32, #tpu.memory_space<hbm>> -> memref<1x128xi32, #tpu.memory_space<hbm>>
      %dma_wait3A_27 = arith.constant 0 : i32
      %dma_wait3A_28 = arith.constant 0 : i32
      %dma_wait3A_29 = tpu.memref_slice %arg3[%add3A, %dma_wait3A_27, %dma_wait3A_28] : memref<32x1x128xi32, #tpu.memory_space<hbm>> -> memref<1x1x128xi32, #tpu.memory_space<hbm>>
      %dma_wait3A_30 = tpu.memref_squeeze %dma_wait3A_29 : memref<1x1x128xi32, #tpu.memory_space<hbm>> -> memref<1x128xi32, #tpu.memory_space<hbm>>
      tpu.wait_dma2 semaphore(%run_scoped3A : memref<!tpu.dma_semaphore, #tpu.memory_space<semaphore_mem>>) src(%dma_wait3A_30 : memref<1x128xi32, #tpu.memory_space<hbm>>) dst(%arg7 : memref<1x128xi32, #tpu.memory_space<vmem>>)
      tpu.yield
    }) : () -> ()
    %dma_start3A = arith.constant 0 : i32
    %dma_start3A_3 = arith.constant 0 : i32
    %dma_start3A_4 = tpu.memref_slice %arg7[%dma_start3A, %dma_start3A_3] : memref<1x128xi32, #tpu.memory_space<vmem>> -> memref<1x128xi32, #tpu.memory_space<vmem>>
    %dma_start3A_5 = tpu.memref_squeeze %dma_start3A_4 : memref<1x128xi32, #tpu.memory_space<vmem>> -> memref<128xi32, #tpu.memory_space<vmem>>
    %dma_start3A_6 = arith.constant 0 : i32
    %dma_start3A_7 = arith.constant 0 : i32
    %dma_start3A_8 = tpu.memref_slice %arg4[%dma_start3A_6, %dma_start3A_7] : memref<10000x128xf32, #tpu.memory_space<hbm>> -> memref<10000x128xf32, #tpu.memory_space<hbm>>
    tpu.enqueue_indirect_dma source(%arg6 : memref<128x128xf32, #tpu.memory_space<vmem>>) target(%dma_start3A_8 : memref<10000x128xf32, #tpu.memory_space<hbm>>) offsets(%dma_start3A_5 : memref<128xi32, #tpu.memory_space<vmem>>) semaphore(%arg8 : memref<!tpu.dma_semaphore, #tpu.memory_space<semaphore_mem>>)
    %dma_wait3A = arith.constant 0 : i32
    %dma_wait3A_9 = arith.constant 0 : i32
    %dma_wait3A_10 = tpu.memref_slice %arg7[%dma_wait3A, %dma_wait3A_9] : memref<1x128xi32, #tpu.memory_space<vmem>> -> memref<1x128xi32, #tpu.memory_space<vmem>>
    %dma_wait3A_11 = tpu.memref_squeeze %dma_wait3A_10 : memref<1x128xi32, #tpu.memory_space<vmem>> -> memref<128xi32, #tpu.memory_space<vmem>>
    %dma_wait3A_12 = arith.constant 0 : i32
    %dma_wait3A_13 = arith.constant 0 : i32
    %dma_wait3A_14 = tpu.memref_slice %arg4[%dma_wait3A_12, %dma_wait3A_13] : memref<10000x128xf32, #tpu.memory_space<hbm>> -> memref<10000x128xf32, #tpu.memory_space<hbm>>
    tpu.wait_indirect_dma semaphore(%arg8 : memref<!tpu.dma_semaphore, #tpu.memory_space<semaphore_mem>>) src(%arg6 : memref<128x128xf32, #tpu.memory_space<vmem>>) dst(%dma_wait3A_14 : memref<10000x128xf32, #tpu.memory_space<hbm>>)
    return
  }
}

module attributes {stable_mosaic.version = 14 : i64} {
  func.func @_winner_body(%arg0: i32, %arg1: memref<256x1xi32, #tpu.memory_space<vmem>>, %arg2: memref<1x4096xi32, #tpu.memory_space<vmem>>, %arg3: memref<256x1xi32, #tpu.memory_space<vmem>>) attributes {dimension_semantics = [#tpu.dimension_semantics<arbitrary>], iteration_bounds = array<i64: 16>, scalar_prefetch = 0 : i64, scratch_operands = 0 : i64, tpu.core_type = #tpu.core_type<tc>, window_params = [{transform_indices = @transform_0, window_bounds = array<i64: 256, 1>}, {pipeline_mode = #tpu.pipeline_mode<synchronous>, transform_indices = @transform_1, window_bounds = array<i64: 1, 4096>}, {transform_indices = @transform_2, window_bounds = array<i64: 256, 1>}]} {
    %get3A = arith.constant 0 : index
    %get3A_0 = arith.constant 0 : index
    %get3A_1 = vector.load %arg1[%get3A, %get3A_0] : memref<256x1xi32, #tpu.memory_space<vmem>>, vector<256x1xi32>
    %get3A_2 = arith.constant 0 : index
    %get3A_3 = arith.constant 0 : index
    %get3A_4 = vector.load %arg2[%get3A_2, %get3A_3] : memref<1x4096xi32, #tpu.memory_space<vmem>>, vector<1x4096xi32>
    %eq3A = vector.broadcast %get3A_1 : vector<256x1xi32> to vector<256x4096xi32>
    %eq3A_5 = vector.broadcast %get3A_4 : vector<1x4096xi32> to vector<256x4096xi32>
    %eq3A_6 = arith.cmpi eq, %eq3A, %eq3A_5 : vector<256x4096xi32>
    %iota3A = tpu.iota {dimensions = array<i32: 1>} : vector<256x4096xi32>
    %jit3A = arith.constant -1 : i32
    %broadcast_in_dim3A = vector.broadcast %jit3A : i32 to vector<256x4096xi32>
    %select_n3A = arith.select %eq3A_6, %iota3A, %broadcast_in_dim3A : vector<256x4096xi1>, vector<256x4096xi32>
    %reduce_max3A = arith.constant dense<-2147483648> : vector<256xi32>
    %reduce_max3A_7 = vector.multi_reduction <maxsi>, %select_n3A, %reduce_max3A [1] : vector<256x4096xi32> to vector<256xi32>
    %broadcast_in_dim3A_8 = vector.shape_cast %reduce_max3A_7 : vector<256xi32> to vector<256x1xi32>
    %swap3A = arith.constant 0 : index
    %swap3A_9 = arith.constant 0 : index
    %swap3A_10 = vector.load %arg3[%swap3A, %swap3A_9] : memref<256x1xi32, #tpu.memory_space<vmem>>, vector<256x1xi32>
    tpu.vector_store %arg3[%swap3A, %swap3A_9], %broadcast_in_dim3A_8 {strides = array<i32>} : memref<256x1xi32, #tpu.memory_space<vmem>>, vector<256x1xi32>,
    return
  }
  func.func @transform_0(%arg0: i32) -> (i32, i32) {
    %c0_i32 = arith.constant 0 : i32
    %c0_i32_0 = arith.constant 0 : i32
    return %arg0, %c0_i32 : i32, i32
  }
  func.func @transform_1(%arg0: i32) -> (i32, i32) {
    %c0_i32 = arith.constant 0 : i32
    %c0_i32_0 = arith.constant 0 : i32
    %c0_i32_1 = arith.constant 0 : i32
    return %c0_i32, %c0_i32_0 : i32, i32
  }
  func.func @transform_2(%arg0: i32) -> (i32, i32) {
    %c0_i32 = arith.constant 0 : i32
    %c0_i32_0 = arith.constant 0 : i32
    return %arg0, %c0_i32 : i32, i32
  }
}

module attributes {stable_mosaic.version = 14 : i64} {
  func.func @_dense_body(%arg0: i32, %arg1: memref<1000x128xf32, #tpu.memory_space<vmem>>, %arg2: memref<1000x1xf32, #tpu.memory_space<vmem>>, %arg3: memref<1000x64xf32, #tpu.memory_space<vmem>>, %arg4: memref<128x64xf32, #tpu.memory_space<vmem>>, %arg5: memref<1x64xf32, #tpu.memory_space<vmem>>, %arg6: memref<64x64xf32, #tpu.memory_space<vmem>>, %arg7: memref<1x64xf32, #tpu.memory_space<vmem>>, %arg8: memref<1x1xf32, #tpu.memory_space<vmem>>, %arg9: memref<1x1xf32, #tpu.memory_space<vmem>>, %arg10: memref<1000x128xf32, #tpu.memory_space<vmem>>) attributes {dimension_semantics = [#tpu.dimension_semantics<arbitrary>], iteration_bounds = array<i64: 10>, scalar_prefetch = 0 : i64, scratch_operands = 0 : i64, tpu.core_type = #tpu.core_type<tc>, window_params = [{transform_indices = @transform_0, window_bounds = array<i64: 1000, 128>}, {transform_indices = @transform_1, window_bounds = array<i64: 1000, 1>}, {transform_indices = @transform_2, window_bounds = array<i64: 1000, 64>}, {pipeline_mode = #tpu.pipeline_mode<synchronous>, transform_indices = @transform_3, window_bounds = array<i64: 128, 64>}, {pipeline_mode = #tpu.pipeline_mode<synchronous>, transform_indices = @transform_4, window_bounds = array<i64: 1, 64>}, {pipeline_mode = #tpu.pipeline_mode<synchronous>, transform_indices = @transform_5, window_bounds = array<i64: 64, 64>}, {pipeline_mode = #tpu.pipeline_mode<synchronous>, transform_indices = @transform_6, window_bounds = array<i64: 1, 64>}, {pipeline_mode = #tpu.pipeline_mode<synchronous>, transform_indices = @transform_7, window_bounds = array<i64: 1, 1>}, {pipeline_mode = #tpu.pipeline_mode<synchronous>, transform_indices = @transform_8, window_bounds = array<i64: 1, 1>}, {transform_indices = @transform_9, window_bounds = array<i64: 1000, 128>}]} {
    %get3A = arith.constant 0 : index
    %get3A_0 = arith.constant 0 : index
    %get3A_1 = vector.load %arg1[%get3A, %get3A_0] : memref<1000x128xf32, #tpu.memory_space<vmem>>, vector<1000x128xf32>
    %get3A_2 = arith.constant 0 : index
    %get3A_3 = arith.constant 0 : index
    %get3A_4 = vector.load %arg4[%get3A_2, %get3A_3] : memref<128x64xf32, #tpu.memory_space<vmem>>, vector<128x64xf32>
    %get3A_5 = arith.constant 0 : index
    %get3A_6 = arith.constant 0 : index
    %get3A_7 = vector.load %arg5[%get3A_5, %get3A_6] : memref<1x64xf32, #tpu.memory_space<vmem>>, vector<1x64xf32>
    %get3A_8 = arith.constant 0 : index
    %get3A_9 = arith.constant 0 : index
    %get3A_10 = vector.load %arg6[%get3A_8, %get3A_9] : memref<64x64xf32, #tpu.memory_space<vmem>>, vector<64x64xf32>
    %get3A_11 = arith.constant 0 : index
    %get3A_12 = arith.constant 0 : index
    %get3A_13 = vector.load %arg7[%get3A_11, %get3A_12] : memref<1x64xf32, #tpu.memory_space<vmem>>, vector<1x64xf32>
    %dot_general3A = arith.constant dense<0.000000e+00> : vector<1000x64xf32>
    %dot_general3A_14 = tpu.matmul %get3A_1, %get3A_4, %dot_general3A {dimension_numbers = #tpu.dot_dimension_numbers<[1], [0], [0], [1], [0, 0, 1, 1], [], []>, transpose_lhs_hint = false} : vector<1000x128xf32>, vector<128x64xf32>, vector<1000x64xf32> -> vector<1000x64xf32>
    %add3A = vector.broadcast %get3A_7 : vector<1x64xf32> to vector<1000x64xf32>
    %add3A_15 = arith.addf %dot_general3A_14, %add3A : vector<1000x64xf32>
    %ge3A = arith.constant 0.000000e+00 : f32
    %ge3A_16 = vector.broadcast %ge3A : f32 to vector<1000x64xf32>
    %ge3A_17 = arith.cmpf oge, %add3A_15, %ge3A_16 : vector<1000x64xf32>
    %mul3A = arith.constant 0.00999999977 : f32
    %mul3A_18 = vector.broadcast %mul3A : f32 to vector<1000x64xf32>
    %mul3A_19 = arith.mulf %mul3A_18, %add3A_15 : vector<1000x64xf32>
    %select_n3A = arith.select %ge3A_17, %add3A_15, %mul3A_19 : vector<1000x64xi1>, vector<1000x64xf32>
    %dot_general3A_20 = arith.constant dense<0.000000e+00> : vector<1000x64xf32>
    %dot_general3A_21 = tpu.matmul %select_n3A, %get3A_10, %dot_general3A_20 {dimension_numbers = #tpu.dot_dimension_numbers<[1], [0], [0], [1], [0, 0, 1, 1], [], []>, transpose_lhs_hint = false} : vector<1000x64xf32>, vector<64x64xf32>, vector<1000x64xf32> -> vector<1000x64xf32>
    %add3A_22 = vector.broadcast %get3A_13 : vector<1x64xf32> to vector<1000x64xf32>
    %add3A_23 = arith.addf %dot_general3A_21, %add3A_22 : vector<1000x64xf32>
    %ge3A_24 = arith.constant 0.000000e+00 : f32
    %ge3A_25 = vector.broadcast %ge3A_24 : f32 to vector<1000x64xf32>
    %ge3A_26 = arith.cmpf oge, %add3A_23, %ge3A_25 : vector<1000x64xf32>
    %mul3A_27 = arith.constant 0.00999999977 : f32
    %mul3A_28 = vector.broadcast %mul3A_27 : f32 to vector<1000x64xf32>
    %mul3A_29 = arith.mulf %mul3A_28, %add3A_23 : vector<1000x64xf32>
    %select_n3A_30 = arith.select %ge3A_26, %add3A_23, %mul3A_29 : vector<1000x64xi1>, vector<1000x64xf32>
    %get3A_31 = arith.constant 0 : index
    %get3A_32 = arith.constant 0 : index
    %get3A_33 = vector.load %arg2[%get3A_31, %get3A_32] : memref<1000x1xf32, #tpu.memory_space<vmem>>, vector<1000x1xf32>
    %get3A_34 = arith.constant 0 : index
    %get3A_35 = arith.constant 0 : index
    %get3A_36 = vector.load %arg9[%get3A_34, %get3A_35] : memref<1x1xf32, #tpu.memory_space<vmem>>, vector<1x1xf32>
    %sub3A = vector.broadcast %get3A_36 : vector<1x1xf32> to vector<1000x1xf32>
    %sub3A_37 = arith.subf %get3A_33, %sub3A : vector<1000x1xf32>
    %mul3A_38 = arith.constant 0.0333333351 : f32
    %mul3A_39 = vector.broadcast %mul3A_38 : f32 to vector<1000x1xf32>
    %mul3A_40 = arith.mulf %sub3A_37, %mul3A_39 : vector<1000x1xf32>
    %exp3A = math.exp %mul3A_40 : vector<1000x1xf32>
    %get3A_41 = arith.constant 0 : index
    %get3A_42 = arith.constant 0 : index
    %get3A_43 = vector.load %arg8[%get3A_41, %get3A_42] : memref<1x1xf32, #tpu.memory_space<vmem>>, vector<1x1xf32>
    %get3A_44 = arith.constant 0 : index
    %get3A_45 = arith.constant 0 : index
    %get3A_46 = vector.load %arg3[%get3A_44, %get3A_45] : memref<1000x64xf32, #tpu.memory_space<vmem>>, vector<1000x64xf32>
    %mul3A_47 = vector.broadcast %get3A_43 : vector<1x1xf32> to vector<1000x64xf32>
    %mul3A_48 = arith.mulf %mul3A_47, %get3A_46 : vector<1000x64xf32>
    %sub3A_49 = arith.constant 1.000000e+00 : f32
    %sub3A_50 = vector.broadcast %sub3A_49 : f32 to vector<1x1xf32>
    %sub3A_51 = arith.subf %sub3A_50, %get3A_43 : vector<1x1xf32>
    %mul3A_52 = vector.broadcast %sub3A_51 : vector<1x1xf32> to vector<1000x1xf32>
    %mul3A_53 = arith.mulf %mul3A_52, %exp3A : vector<1000x1xf32>
    %mul3A_54 = vector.broadcast %mul3A_53 : vector<1000x1xf32> to vector<1000x64xf32>
    %mul3A_55 = arith.mulf %mul3A_54, %select_n3A_30 : vector<1000x64xf32>
    %add3A_56 = arith.addf %mul3A_48, %mul3A_55 : vector<1000x64xf32>
    %concatenate3A = tpu.concatenate %add3A_56, %add3A_56 in 1 : vector<1000x64xf32>, vector<1000x64xf32> -> vector<1000x128xf32>
    %swap3A = arith.constant 0 : index
    %swap3A_57 = arith.constant 0 : index
    %swap3A_58 = vector.load %arg10[%swap3A, %swap3A_57] : memref<1000x128xf32, #tpu.memory_space<vmem>>, vector<1000x128xf32>
    tpu.vector_store %arg10[%swap3A, %swap3A_57], %concatenate3A {strides = array<i32>} : memref<1000x128xf32, #tpu.memory_space<vmem>>, vector<1000x128xf32>,
    return
  }
  func.func @transform_0(%arg0: i32) -> (i32, i32) {
    %c0_i32 = arith.constant 0 : i32
    %c0_i32_0 = arith.constant 0 : i32
    return %arg0, %c0_i32 : i32, i32
  }
  func.func @transform_1(%arg0: i32) -> (i32, i32) {
    %c0_i32 = arith.constant 0 : i32
    %c0_i32_0 = arith.constant 0 : i32
    return %arg0, %c0_i32 : i32, i32
  }
  func.func @transform_2(%arg0: i32) -> (i32, i32) {
    %c0_i32 = arith.constant 0 : i32
    %c0_i32_0 = arith.constant 0 : i32
    return %arg0, %c0_i32 : i32, i32
  }
  func.func @transform_3(%arg0: i32) -> (i32, i32) {
    %c0_i32 = arith.constant 0 : i32
    %c0_i32_0 = arith.constant 0 : i32
    %c0_i32_1 = arith.constant 0 : i32
    return %c0_i32, %c0_i32_0 : i32, i32
  }
  func.func @transform_4(%arg0: i32) -> (i32, i32) {
    %c0_i32 = arith.constant 0 : i32
    %c0_i32_0 = arith.constant 0 : i32
    %c0_i32_1 = arith.constant 0 : i32
    return %c0_i32, %c0_i32_0 : i32, i32
  }
  func.func @transform_5(%arg0: i32) -> (i32, i32) {
    %c0_i32 = arith.constant 0 : i32
    %c0_i32_0 = arith.constant 0 : i32
    %c0_i32_1 = arith.constant 0 : i32
    return %c0_i32, %c0_i32_0 : i32, i32
  }
  func.func @transform_6(%arg0: i32) -> (i32, i32) {
    %c0_i32 = arith.constant 0 : i32
    %c0_i32_0 = arith.constant 0 : i32
    %c0_i32_1 = arith.constant 0 : i32
    return %c0_i32, %c0_i32_0 : i32, i32
  }
  func.func @transform_7(%arg0: i32) -> (i32, i32) {
    %c0_i32 = arith.constant 0 : i32
    %c0_i32_0 = arith.constant 0 : i32
    %c0_i32_1 = arith.constant 0 : i32
    return %c0_i32, %c0_i32_0 : i32, i32
  }
  func.func @transform_8(%arg0: i32) -> (i32, i32) {
    %c0_i32 = arith.constant 0 : i32
    %c0_i32_0 = arith.constant 0 : i32
    %c0_i32_1 = arith.constant 0 : i32
    return %c0_i32, %c0_i32_0 : i32, i32
  }
  func.func @transform_9(%arg0: i32) -> (i32, i32) {
    %c0_i32 = arith.constant 0 : i32
    %c0_i32_0 = arith.constant 0 : i32
    return %arg0, %c0_i32 : i32, i32
  }
}

module attributes {stable_mosaic.version = 14 : i64} {
  func.func @_fix_body(%arg0: i32, %arg1: memref<1024x128xf32, #tpu.memory_space<vmem>>, %arg2: memref<1024x1xf32, #tpu.memory_space<vmem>>, %arg3: memref<1024x1xf32, #tpu.memory_space<vmem>>, %arg4: memref<1024x128xf32, #tpu.memory_space<vmem>>, %arg5: memref<1024x128xf32, #tpu.memory_space<vmem>>, %arg6: memref<1024x1xi32, #tpu.memory_space<vmem>>, %arg7: memref<128x64xf32, #tpu.memory_space<vmem>>, %arg8: memref<1x64xf32, #tpu.memory_space<vmem>>, %arg9: memref<64x64xf32, #tpu.memory_space<vmem>>, %arg10: memref<1x64xf32, #tpu.memory_space<vmem>>, %arg11: memref<1x1xf32, #tpu.memory_space<vmem>>, %arg12: memref<1x1xf32, #tpu.memory_space<vmem>>, %arg13: memref<1024x128xf32, #tpu.memory_space<vmem>>) attributes {dimension_semantics = [#tpu.dimension_semantics<arbitrary>], iteration_bounds = array<i64: 4>, scalar_prefetch = 0 : i64, scratch_operands = 0 : i64, tpu.core_type = #tpu.core_type<tc>, window_params = [{transform_indices = @transform_0, window_bounds = array<i64: 1024, 128>}, {transform_indices = @transform_1, window_bounds = array<i64: 1024, 1>}, {transform_indices = @transform_2, window_bounds = array<i64: 1024, 1>}, {transform_indices = @transform_3, window_bounds = array<i64: 1024, 128>}, {transform_indices = @transform_4, window_bounds = array<i64: 1024, 128>}, {transform_indices = @transform_5, window_bounds = array<i64: 1024, 1>}, {pipeline_mode = #tpu.pipeline_mode<synchronous>, transform_indices = @transform_6, window_bounds = array<i64: 128, 64>}, {pipeline_mode = #tpu.pipeline_mode<synchronous>, transform_indices = @transform_7, window_bounds = array<i64: 1, 64>}, {pipeline_mode = #tpu.pipeline_mode<synchronous>, transform_indices = @transform_8, window_bounds = array<i64: 64, 64>}, {pipeline_mode = #tpu.pipeline_mode<synchronous>, transform_indices = @transform_9, window_bounds = array<i64: 1, 64>}, {pipeline_mode = #tpu.pipeline_mode<synchronous>, transform_indices = @transform_10, window_bounds = array<i64: 1, 1>}, {pipeline_mode = #tpu.pipeline_mode<synchronous>, transform_indices = @transform_11, window_bounds = array<i64: 1, 1>}, {transform_indices = @transform_12, window_bounds = array<i64: 1024, 128>}]} {
    %get3A = arith.constant 0 : index
    %get3A_0 = arith.constant 0 : index
    %get3A_1 = vector.load %arg1[%get3A, %get3A_0] : memref<1024x128xf32, #tpu.memory_space<vmem>>, vector<1024x128xf32>
    %get3A_2 = arith.constant 0 : index
    %get3A_3 = arith.constant 0 : index
    %get3A_4 = vector.load %arg3[%get3A_2, %get3A_3] : memref<1024x1xf32, #tpu.memory_space<vmem>>, vector<1024x1xf32>
    %get3A_5 = arith.constant 0 : index
    %get3A_6 = arith.constant 0 : index
    %get3A_7 = vector.load %arg2[%get3A_5, %get3A_6] : memref<1024x1xf32, #tpu.memory_space<vmem>>, vector<1024x1xf32>
    %sub3A = arith.subf %get3A_7, %get3A_4 : vector<1024x1xf32>
    %mul3A = arith.constant 0.0333333351 : f32
    %mul3A_8 = vector.broadcast %mul3A : f32 to vector<1024x1xf32>
    %mul3A_9 = arith.mulf %sub3A, %mul3A_8 : vector<1024x1xf32>
    %exp3A = math.exp %mul3A_9 : vector<1024x1xf32>
    %get3A_10 = arith.constant 0 : index
    %get3A_11 = arith.constant 0 : index
    %get3A_12 = vector.load %arg4[%get3A_10, %get3A_11] : memref<1024x128xf32, #tpu.memory_space<vmem>>, vector<1024x128xf32>
    %mul3A_13 = vector.broadcast %exp3A : vector<1024x1xf32> to vector<1024x128xf32>
    %mul3A_14 = arith.mulf %get3A_1, %mul3A_13 : vector<1024x128xf32>
    %slice3A = vector.extract_strided_slice %mul3A_14 {offsets = [0, 0], sizes = [1024, 64], strides = [1, 1]} : vector<1024x128xf32> to vector<1024x64xf32>
    %slice3A_15 = vector.extract_strided_slice %get3A_12 {offsets = [0, 0], sizes = [1024, 64], strides = [1, 1]} : vector<1024x128xf32> to vector<1024x64xf32>
    %add3A = arith.addf %slice3A, %slice3A_15 : vector<1024x64xf32>
    %slice3A_16 = vector.extract_strided_slice %mul3A_14 {offsets = [0, 64], sizes = [1024, 64], strides = [1, 1]} : vector<1024x128xf32> to vector<1024x64xf32>
    %slice3A_17 = vector.extract_strided_slice %get3A_12 {offsets = [0, 64], sizes = [1024, 1], strides = [1, 1]} : vector<1024x128xf32> to vector<1024x1xf32>
    %add3A_18 = vector.broadcast %slice3A_17 : vector<1024x1xf32> to vector<1024x64xf32>
    %add3A_19 = arith.addf %slice3A_16, %add3A_18 : vector<1024x64xf32>
    %concatenate3A = tpu.concatenate %add3A, %add3A_19 in 1 : vector<1024x64xf32>, vector<1024x64xf32> -> vector<1024x128xf32>
    %get3A_20 = arith.constant 0 : index
    %get3A_21 = arith.constant 0 : index
    %get3A_22 = vector.load %arg7[%get3A_20, %get3A_21] : memref<128x64xf32, #tpu.memory_space<vmem>>, vector<128x64xf32>
    %get3A_23 = arith.constant 0 : index
    %get3A_24 = arith.constant 0 : index
    %get3A_25 = vector.load %arg8[%get3A_23, %get3A_24] : memref<1x64xf32, #tpu.memory_space<vmem>>, vector<1x64xf32>
    %get3A_26 = arith.constant 0 : index
    %get3A_27 = arith.constant 0 : index
    %get3A_28 = vector.load %arg9[%get3A_26, %get3A_27] : memref<64x64xf32, #tpu.memory_space<vmem>>, vector<64x64xf32>
    %get3A_29 = arith.constant 0 : index
    %get3A_30 = arith.constant 0 : index
    %get3A_31 = vector.load %arg10[%get3A_29, %get3A_30] : memref<1x64xf32, #tpu.memory_space<vmem>>, vector<1x64xf32>
    %dot_general3A = arith.constant dense<0.000000e+00> : vector<1024x64xf32>
    %dot_general3A_32 = tpu.matmul %concatenate3A, %get3A_22, %dot_general3A {dimension_numbers = #tpu.dot_dimension_numbers<[1], [0], [0], [1], [0, 0, 1, 1], [], []>, transpose_lhs_hint = false} : vector<1024x128xf32>, vector<128x64xf32>, vector<1024x64xf32> -> vector<1024x64xf32>
    %add3A_33 = vector.broadcast %get3A_25 : vector<1x64xf32> to vector<1024x64xf32>
    %add3A_34 = arith.addf %dot_general3A_32, %add3A_33 : vector<1024x64xf32>
    %ge3A = arith.constant 0.000000e+00 : f32
    %ge3A_35 = vector.broadcast %ge3A : f32 to vector<1024x64xf32>
    %ge3A_36 = arith.cmpf oge, %add3A_34, %ge3A_35 : vector<1024x64xf32>
    %mul3A_37 = arith.constant 0.00999999977 : f32
    %mul3A_38 = vector.broadcast %mul3A_37 : f32 to vector<1024x64xf32>
    %mul3A_39 = arith.mulf %mul3A_38, %add3A_34 : vector<1024x64xf32>
    %select_n3A = arith.select %ge3A_36, %add3A_34, %mul3A_39 : vector<1024x64xi1>, vector<1024x64xf32>
    %dot_general3A_40 = arith.constant dense<0.000000e+00> : vector<1024x64xf32>
    %dot_general3A_41 = tpu.matmul %select_n3A, %get3A_28, %dot_general3A_40 {dimension_numbers = #tpu.dot_dimension_numbers<[1], [0], [0], [1], [0, 0, 1, 1], [], []>, transpose_lhs_hint = false} : vector<1024x64xf32>, vector<64x64xf32>, vector<1024x64xf32> -> vector<1024x64xf32>
    %add3A_42 = vector.broadcast %get3A_31 : vector<1x64xf32> to vector<1024x64xf32>
    %add3A_43 = arith.addf %dot_general3A_41, %add3A_42 : vector<1024x64xf32>
    %ge3A_44 = arith.constant 0.000000e+00 : f32
    %ge3A_45 = vector.broadcast %ge3A_44 : f32 to vector<1024x64xf32>
    %ge3A_46 = arith.cmpf oge, %add3A_43, %ge3A_45 : vector<1024x64xf32>
    %mul3A_47 = arith.constant 0.00999999977 : f32
    %mul3A_48 = vector.broadcast %mul3A_47 : f32 to vector<1024x64xf32>
    %mul3A_49 = arith.mulf %mul3A_48, %add3A_43 : vector<1024x64xf32>
    %select_n3A_50 = arith.select %ge3A_46, %add3A_43, %mul3A_49 : vector<1024x64xi1>, vector<1024x64xf32>
    %get3A_51 = arith.constant 0 : index
    %get3A_52 = arith.constant 0 : index
    %get3A_53 = vector.load %arg12[%get3A_51, %get3A_52] : memref<1x1xf32, #tpu.memory_space<vmem>>, vector<1x1xf32>
    %sub3A_54 = vector.broadcast %get3A_53 : vector<1x1xf32> to vector<1024x1xf32>
    %sub3A_55 = arith.subf %get3A_4, %sub3A_54 : vector<1024x1xf32>
    %mul3A_56 = arith.constant 0.0333333351 : f32
    %mul3A_57 = vector.broadcast %mul3A_56 : f32 to vector<1024x1xf32>
    %mul3A_58 = arith.mulf %sub3A_55, %mul3A_57 : vector<1024x1xf32>
    %exp3A_59 = math.exp %mul3A_58 : vector<1024x1xf32>
    %get3A_60 = arith.constant 0 : index
    %get3A_61 = arith.constant 0 : index
    %get3A_62 = vector.load %arg5[%get3A_60, %get3A_61] : memref<1024x128xf32, #tpu.memory_space<vmem>>, vector<1024x128xf32>
    %get3A_63 = arith.constant 0 : index
    %get3A_64 = arith.constant 0 : index
    %get3A_65 = vector.load %arg6[%get3A_63, %get3A_64] : memref<1024x1xi32, #tpu.memory_space<vmem>>, vector<1024x1xi32>
    %and3A = arith.constant 1 : i32
    %and3A_66 = vector.broadcast %and3A : i32 to vector<1024x1xi32>
    %and3A_67 = arith.andi %get3A_65, %and3A_66 : vector<1024x1xi32>
    %eq3A = arith.constant 1 : i32
    %eq3A_68 = vector.broadcast %eq3A : i32 to vector<1024x1xi32>
    %eq3A_69 = arith.cmpi eq, %and3A_67, %eq3A_68 : vector<1024x1xi32>
    %slice3A_70 = vector.extract_strided_slice %get3A_62 {offsets = [0, 64], sizes = [1024, 64], strides = [1, 1]} : vector<1024x128xf32> to vector<1024x64xf32>
    %slice3A_71 = vector.extract_strided_slice %get3A_62 {offsets = [0, 0], sizes = [1024, 64], strides = [1, 1]} : vector<1024x128xf32> to vector<1024x64xf32>
    %broadcast_in_dim3A = vector.shape_cast %eq3A_69 : vector<1024x1xi1> to vector<1024x1xi1>
    %broadcast_in_dim3A_72 = vector.broadcast %broadcast_in_dim3A : vector<1024x1xi1> to vector<1024x64xi1>
    %select_n3A_73 = arith.select %broadcast_in_dim3A_72, %slice3A_70, %slice3A_71 : vector<1024x64xi1>, vector<1024x64xf32>
    %get3A_74 = arith.constant 0 : index
    %get3A_75 = arith.constant 0 : index
    %get3A_76 = vector.load %arg11[%get3A_74, %get3A_75] : memref<1x1xf32, #tpu.memory_space<vmem>>, vector<1x1xf32>
    %mul3A_77 = vector.broadcast %get3A_76 : vector<1x1xf32> to vector<1024x64xf32>
    %mul3A_78 = arith.mulf %mul3A_77, %select_n3A_73 : vector<1024x64xf32>
    %sub3A_79 = arith.constant 1.000000e+00 : f32
    %sub3A_80 = vector.broadcast %sub3A_79 : f32 to vector<1x1xf32>
    %sub3A_81 = arith.subf %sub3A_80, %get3A_76 : vector<1x1xf32>
    %mul3A_82 = vector.broadcast %sub3A_81 : vector<1x1xf32> to vector<1024x1xf32>
    %mul3A_83 = arith.mulf %mul3A_82, %exp3A_59 : vector<1024x1xf32>
    %mul3A_84 = vector.broadcast %mul3A_83 : vector<1024x1xf32> to vector<1024x64xf32>
    %mul3A_85 = arith.mulf %mul3A_84, %select_n3A_50 : vector<1024x64xf32>
    %add3A_86 = arith.addf %mul3A_78, %mul3A_85 : vector<1024x64xf32>
    %concatenate3A_87 = tpu.concatenate %add3A_86, %add3A_86 in 1 : vector<1024x64xf32>, vector<1024x64xf32> -> vector<1024x128xf32>
    %swap3A = arith.constant 0 : index
    %swap3A_88 = arith.constant 0 : index
    %swap3A_89 = vector.load %arg13[%swap3A, %swap3A_88] : memref<1024x128xf32, #tpu.memory_space<vmem>>, vector<1024x128xf32>
    tpu.vector_store %arg13[%swap3A, %swap3A_88], %concatenate3A_87 {strides = array<i32>} : memref<1024x128xf32, #tpu.memory_space<vmem>>, vector<1024x128xf32>,
    return
  }
  func.func @transform_0(%arg0: i32) -> (i32, i32) {
    %c0_i32 = arith.constant 0 : i32
    %c0_i32_0 = arith.constant 0 : i32
    return %arg0, %c0_i32 : i32, i32
  }
  func.func @transform_1(%arg0: i32) -> (i32, i32) {
    %c0_i32 = arith.constant 0 : i32
    %c0_i32_0 = arith.constant 0 : i32
    return %arg0, %c0_i32 : i32, i32
  }
  func.func @transform_2(%arg0: i32) -> (i32, i32) {
    %c0_i32 = arith.constant 0 : i32
    %c0_i32_0 = arith.constant 0 : i32
    return %arg0, %c0_i32 : i32, i32
  }
  func.func @transform_3(%arg0: i32) -> (i32, i32) {
    %c0_i32 = arith.constant 0 : i32
    %c0_i32_0 = arith.constant 0 : i32
    return %arg0, %c0_i32 : i32, i32
  }
  func.func @transform_4(%arg0: i32) -> (i32, i32) {
    %c0_i32 = arith.constant 0 : i32
    %c0_i32_0 = arith.constant 0 : i32
    return %arg0, %c0_i32 : i32, i32
  }
  func.func @transform_5(%arg0: i32) -> (i32, i32) {
    %c0_i32 = arith.constant 0 : i32
    %c0_i32_0 = arith.constant 0 : i32
    return %arg0, %c0_i32 : i32, i32
  }
  func.func @transform_6(%arg0: i32) -> (i32, i32) {
    %c0_i32 = arith.constant 0 : i32
    %c0_i32_0 = arith.constant 0 : i32
    %c0_i32_1 = arith.constant 0 : i32
    return %c0_i32, %c0_i32_0 : i32, i32
  }
  func.func @transform_7(%arg0: i32) -> (i32, i32) {
    %c0_i32 = arith.constant 0 : i32
    %c0_i32_0 = arith.constant 0 : i32
    %c0_i32_1 = arith.constant 0 : i32
    return %c0_i32, %c0_i32_0 : i32, i32
  }
  func.func @transform_8(%arg0: i32) -> (i32, i32) {
    %c0_i32 = arith.constant 0 : i32
    %c0_i32_0 = arith.constant 0 : i32
    %c0_i32_1 = arith.constant 0 : i32
    return %c0_i32, %c0_i32_0 : i32, i32
  }
  func.func @transform_9(%arg0: i32) -> (i32, i32) {
    %c0_i32 = arith.constant 0 : i32
    %c0_i32_0 = arith.constant 0 : i32
    %c0_i32_1 = arith.constant 0 : i32
    return %c0_i32, %c0_i32_0 : i32, i32
  }
  func.func @transform_10(%arg0: i32) -> (i32, i32) {
    %c0_i32 = arith.constant 0 : i32
    %c0_i32_0 = arith.constant 0 : i32
    %c0_i32_1 = arith.constant 0 : i32
    return %c0_i32, %c0_i32_0 : i32, i32
  }
  func.func @transform_11(%arg0: i32) -> (i32, i32) {
    %c0_i32 = arith.constant 0 : i32
    %c0_i32_0 = arith.constant 0 : i32
    %c0_i32_1 = arith.constant 0 : i32
    return %c0_i32, %c0_i32_0 : i32, i32
  }
  func.func @transform_12(%arg0: i32) -> (i32, i32) {
    %c0_i32 = arith.constant 0 : i32
    %c0_i32_0 = arith.constant 0 : i32
    return %arg0, %c0_i32 : i32, i32
  }
}

</mosaic_0001>

<sc_bundles>
// kernel: kernel.10.cloned.1.call-start
scs
__scs_entry_jumppad:
0x0: {  	(pc) =	sbr.rel $0x88, $3  }
0x1: {  	(tag) =	ssettag $0x0;
	lr =	simm.s32 $0x1  }
0x2: {  	[smem:$0x3F95] =	sst lr;
	_ =	strace $0xD0000000  }
0x3: {  	_ = 	snop  }
0x4: {  	_ = 	snop  }
0x5: {  	_ = 	snop  }
0x6: {  	_ = 	snop  }
0x7: {  	_ = 	snop  }
__scs_overlays_trampoline_lowered:
0x8: {  	[smem:$0x3FA4] =	sst s0  }
0x9: {  	[smem:$0x3FA5] =	sst s1  }
0xa: {  	[smem:$0x3FA6] =	sst s2  }
0xb: {  	[smem:$0x3FA7] =	sst s3  }
0xc: {  	[smem:$0x3FA8] =	sst s4  }
0xd: {  	[smem:$0x3FA9] =	sst s5  }
0xe: {  	[smem:$0x3FAA] =	sst s6  }
0xf: {  	[smem:$0x3FAB] =	sst s7  }
0x10: {  	[smem:$0x3FAC] =	sst s8  }
0x11: {  	[smem:$0x3FAD] =	sst s9;
	s0 =	simm.s32 @!p0 $0x0  }
0x12: {  	s1 =	sld [smem:$0x3F93];
	s0 =	simm.s32 @p0 $0x1  }
0x13: {  	[smem:$0x3FAE] =	sst s0;
	s0 =	simm.s32 @!p1 $0x0  }
0x14: {  	s2 =	sld [smem:$0x3F92];
	s0 =	simm.s32 @p1 $0x1  }
0x15: {  	[smem:$0x3FAF] =	sst s0;
	s0 =	simm.s32 @!p2 $0x0  }
0x16: {  	s3 =	sld [smem:$0x3FDB];
	s0 =	simm.s32 @p2 $0x1  }
0x17: {  	s4 =	simm.s32 $0x1BF5;
	[smem:$0x3FB1] =	sst s0  }
0x18: {  	s0 =	sld [smem:$0x3F94];
	_ =	swait.ge [sflag:s4], $0x0  }
0x19: {  	s7 =	sld [smem:$0x3F95]  }
0x1a: {  	s8 =	sadd.s32 $0xFFFFE003, lr  }
0x1b: {  	s9 =	sadd.s32 $0xFFFFFEF7, lr;
	s5 =	simm.s32 $0xFFFFFFFF;
	p2 =	slt.u32 s8, $0xFFFFF086  }
0x1c: {  	p1 =	slt.u32 s9, $0xF7A;
	s5 =	simm.s32 @!p2 $0x0  }
0x1d: {  	s5 =	simm.s32 @p1 $0x1;
	p0 =	seq.s32 s7, s2  }
0x1e: {  	s7 =	smul.u32 @!p0 $0xF7A, s2;
	p2 =	seq.s32 @!p0 s5, $0x0  }
0x1f: {  	s9 =	smul.u32 $0xF7A, s1;
	s8 =	simm.s32 @!p0 $0x1BF5;
	p2 =	por !p2, p0  }
0x20: {  	[sflag:s8] =	ssyncset.s32 @!p0 $0xFFFFF086;
	s6 =	sadd.s32 @!p0 s3, s7;
	s7 =	simm.s32 @!p0 $0x108  }
0x21: {  	s3 =	sadd.s32 s3, s9;
	s6 =	sadd.s32 @!p0 $0x88, s6;
	s7 =	simm.s32 @p2 $0x1082  }
0x22: {  	[simem:s7], [sflag:s8] =	dma.local @!p0 [hbm:s6], $0xF7A  }
0x23: {  	s9 =	sor.u32 $0xD0000000, s2;
	s6 =	simm.s32 $0x108;
	_ =	swait.ge @!p0 [sflag:s8], $0x0  }
0x24: {  	s3 =	sadd.s32 $0x88, s3;
	s6 =	simm.s32 @!p1 $0x1082;
	[sflag:s4] =	ssyncset.s32 $0xFFFFF086  }
0x25: {  	[simem:s6], [sflag:s4] =	dma.local [hbm:s3], $0xF7A  }
0x26: {  	[smem:$0x3F95] =	sst s1;
	(tag) =	ssettag s2;
	_ =	strace s9  }
0x27: {  	s1 =	sld [smem:$0x3FA5]  }
0x28: {  	s2 =	sld [smem:$0x3FA6]  }
0x29: {  	s4 =	sld [smem:$0x3FA8]  }
0x2a: {  	p0 =	seq.s32 s5, $0x0;
	s5 =	sld [smem:$0x3FA9]  }
0x2b: {  	s6 =	sld [smem:$0x3FAA]  }
0x2c: {  	s7 =	sld [smem:$0x3FAB]  }
0x2d: {  	s3 =	simm.s32 $0x108;
	s8 =	sld [smem:$0x3FAC]  }
0x2e: {  	s3 =	simm.s32 @!p0 $0x1082;
	s9 =	sld [smem:$0x3FAD]  }
0x2f: {  	lr =	sadd.s32 s0, s3;
	s0 =	sld [smem:$0x3FA4]  }
0x30: {  	s3 =	sld [smem:$0x3FA7]  }
0x31: {  	[smem:$0x3FB0] =	sst s10  }
0x32: {  	s10 =	sld [smem:$0x3FAE];
	_ =	sdelay $0x3  }
0x33: {  	p0 =	seq.s32 s10, $0x1;
	s10 =	sld [smem:$0x3FB0];
	_ =	sdelay $0x3  }
0x34: {  	[smem:$0x3FB0] =	sst s10  }
0x35: {  	s10 =	sld [smem:$0x3FAF];
	_ =	sdelay $0x3  }
0x36: {  	p1 =	seq.s32 s10, $0x1;
	s10 =	sld [smem:$0x3FB0];
	_ =	sdelay $0x3  }
0x37: {  	[smem:$0x3FB0] =	sst s10  }
0x38: {  	s10 =	sld [smem:$0x3FB1]  }
0x39: {  	_ = 	snop;
	(pc) =	sbr.ind lr, $3  }
0x3a: {  	_ = 	snop  }
0x3b: {  	_ = 	snop  }
0x3c: {  	p2 =	seq.s32 s10, $0x1;
	s10 =	sld [smem:$0x3FB0]  }
0x3d: {  	_ =	shalt  }
0x3e: {  	_ =	shalt  }
0x3f: {  	_ =	shalt  }
0x40: {  	_ =	shalt  }
0x41: {  	_ =	shalt  }
0x42: {  	_ =	shalt  }
0x43: {  	_ =	shalt  }
0x44: {  	_ =	shalt  }
0x45: {  	_ =	shalt  }
0x46: {  	_ =	shalt  }
0x47: {  	_ =	shalt  }
0x48: {  	_ =	shalt  }
0x49: {  	_ =	shalt  }
0x4a: {  	_ =	shalt  }
0x4b: {  	_ =	shalt  }
0x4c: {  	_ =	shalt  }
0x4d: {  	_ =	shalt  }
0x4e: {  	_ =	shalt  }
0x4f: {  	_ =	shalt  }
0x50: {  	_ =	shalt  }
0x51: {  	_ =	shalt  }
0x52: {  	_ =	shalt  }
0x53: {  	_ =	shalt  }
0x54: {  	_ =	shalt  }
0x55: {  	_ =	shalt  }
0x56: {  	_ =	shalt  }
0x57: {  	_ =	shalt  }
0x58: {  	_ =	shalt  }
0x59: {  	_ =	shalt  }
0x5a: {  	_ =	shalt  }
0x5b: {  	_ =	shalt  }
0x5c: {  	_ =	shalt  }
0x5d: {  	_ =	shalt  }
0x5e: {  	_ =	shalt  }
0x5f: {  	_ =	shalt  }
0x60: {  	_ =	shalt  }
0x61: {  	_ =	shalt  }
0x62: {  	_ =	shalt  }
0x63: {  	_ =	shalt  }
0x64: {  	_ =	shalt  }
0x65: {  	_ =	shalt  }
0x66: {  	_ =	shalt  }
0x67: {  	_ =	shalt  }
0x68: {  	_ =	shalt  }
0x69: {  	_ =	shalt  }
0x6a: {  	_ =	shalt  }
0x6b: {  	_ =	shalt  }
0x6c: {  	_ =	shalt  }
0x6d: {  	_ =	shalt  }
0x6e: {  	_ =	shalt  }
0x6f: {  	_ =	shalt  }
0x70: {  	_ =	shalt  }
0x71: {  	_ =	shalt  }
0x72: {  	_ =	shalt  }
0x73: {  	_ =	shalt  }
0x74: {  	_ =	shalt  }
0x75: {  	_ =	shalt  }
0x76: {  	_ =	shalt  }
0x77: {  	_ =	shalt  }
0x78: {  	_ =	shalt  }
0x79: {  	_ =	shalt  }
0x7a: {  	_ =	shalt  }
0x7b: {  	_ =	shalt  }
0x7c: {  	_ =	shalt  }
0x7d: {  	_ =	shalt  }
0x7e: {  	_ =	shalt  }
0x7f: {  	_ =	shalt  }
0x80: {  	_ =	shalt  }
0x81: {  	_ =	shalt  }
0x82: {  	_ =	shalt  }
0x83: {  	_ =	shalt  }
0x84: {  	_ =	shalt  }
0x85: {  	_ =	shalt  }
0x86: {  	_ =	shalt  }
0x87: {  	_ =	shalt  }
.Lfunc_end0:
.L_simem_size_0:
called_computation.1_lowered:
.L_overlay_start_0:
0x88: {  	s2 =	sld [smem:$0x3FD9]  }
0x89: {  	s3 =	sld [smem:$0x3FFE];
	_ =	sdelay $0x1  }
0x8a: {  	s1 =	srdreg.scid  }
0x8b: {  	s0 =	sand.u32 $0x1, s1  }
0x8c: {  	s17 =	sshll.u32 s0, $0xA;
	s2 =	sadd.s32 s3, s2  }
0x8d: {  	s2 =	sadd.s32 s2, s17  }
0x8e: {  	[smem:$0x3FBC] =	sst s2  }
0x8f: {  	_ = 	snop  }
0x90: {  	s2 =	sld [smem:$0x3FC8]  }
0x91: {  	s18 =	sld [smem:$0x3FD0];
	(tm) =	ssettm $0x1  }
0x92: {  	s4 =	sld [smem:$0x3FFB];
	_ =	sdelay $0x3  }
0x93: {  	_ =	strace s4  }
0x94: {  	s4 =	sld [smem:$0x3FFC];
	_ =	sdelay $0x3  }
0x95: {  	_ =	strace s4  }
0x96: {  	s4 =	sld [smem:$0x3FFD];
	_ =	sdelay $0x3  }
0x97: {  	_ =	strace s4  }
0x98: {  	_ =	strace $0x8FFFFFFF  }
0x99: {  	s19 =	sld [smem:$0x3FDB];
	_ =	sdelay $0x1  }
0x9a: {  	s5 =	simm.s32 $_scs_section_size  }
0x9b: {  	s6 =	simm.s32 $_size__tile_overlayer_lowered;
	s7 =	simm.s32 $_tile_overlayer_lowered  }
0x9c: {  	s22 =	simm.s32 $0x1BFF;
	s21 =	sshll.u32 s7, $0x1;
	s4 =	sadd.s32 s5, s19  }
0x9d: {  	s8 =	simm.s32 $0x0;
	s20 =	sshll.u32 s6, $0x1;
	s6 =	sadd.s32 s21, s4  }
0x9e: {  	[timem:s8], [sflag:s22] =	dma.local [hbm:s6], s20  }
0x9f: {  	_ =	swait.ge [sflag:s22], s20  }
0xa0: {  	s5 =	ssub.s32 $0x0, s20;
	[sflag:s22] =	ssyncset.done $0x0  }
0xa1: {  	[sflag:s22] =	ssyncadd.s32 s5;
	_ =	sdelay $0x1  }
0xa2: {  	s23 =	simm.s32 $0x1B8B  }
0xa3: {  	_ =	swait.ge [sflag:s23], $0x1  }
0xa4: {  	[sflag:s23] =	ssyncset.done $0x0  }
0xa5: {  	s25 =	simm.s32 $0x1B8E;
	s24 =	sld [smem:$0x3FFE];
	[sflag:s23] =	ssyncadd.s32 $0xFFFFFFFF  }
0xa6: {  	s26 =	simm.s32 $execute0_lowered;
	[smem:$0x3FD2] =	sst s25  }
0xa7: {  	s6 =	sshll.u32 s26, $0x1;
	_ =	strace $0x80000049;
	[dreg:$0x1] =	wrdreg $0xFFFFFFFF  }
0xa8: {  	s28 =	simm.s32 $_size_execute0_lowered;
	s4 =	sadd.s32 s4, s6;
	[dreg:$0x0] =	wrdreg $0x0  }
0xa9: {  	s6 =	sshll.u32 s28, $0x1;
	[dreg:$0x2] =	wrdreg s4  }
0xaa: {  	[dreg:$0x3] =	wrdreg s6  }
0xab: {  	[dreg:$0x4] =	wrdreg $0xC0  }
0xac: {  	_ =	task [dreg:s8], $0x5FFFF  }
0xad: {  	[dreg:$0x1] =	wrdreg $0xFFFFFFFF  }
0xae: {  	[dreg:$0x0] =	wrdreg $0x60  }
0xaf: {  	[dreg:$0x2] =	wrdreg s18  }
0xb0: {  	[dreg:$0x3] =	wrdreg s2  }
0xb1: {  	[dreg:$0x4] =	wrdreg s24  }
0xb2: {  	[dreg:$0x5] =	wrdreg $0x9  }
0xb3: {  	_ =	task.clear_ibuf [dreg:s8], $0x6FFFF;
	_ =	strace $0x90000049  }
0xb4: {  	s29 =	simm.s32 $0x9;
	_ =	strace $0x8000004B  }
0xb5: {  	_ =	swait.ge [sflag:s29], $0x1  }
0xb6: {  	[sflag:s29] =	ssyncadd.s32 $0xFFFFFFFF  }
0xb7: {  	_ =	strace $0x9000004B  }
0xb8: {  	_ =	sfence  }
0xb9: {  	s30 =	sld [smem:$0x0];
	_ =	sdelay $0x2  }
0xba: {  	s31 =	sshll.u32 s1, $0xD;
	s1 =	sshrl.u32 s1, $0x2  }
0xbb: {  	s3 =	sand.u32 $0x4000, s31;
	s1 =	sadd.s32 s1, s30  }
0xbc: {  	s0 =	sor.u32 s3, s0;
	s1 =	sshll.u32 s1, $0x11  }
0xbd: {  	s0 =	sor.u32 s1, s0  }
0xbe: {  	s0 =	sadd.s32 $0x8F2B, s0  }
0xbf: {  	[sflag:s0] =	ssyncadd.remote.s32 $0x1  }
0xc0: {  	_ =	sfence.sel $0xFFFF  }
0xc1: {  	[dreg:$0x0] =	wrdreg $0xFFFFFFFF;
	(pc) =	sbr.abs _section_cstart, $3  }
0xc2: {  	[dreg:$0x1] =	wrdreg $0xFFFFFFFF  }
0xc3: {  	_ =	task.clear_ibuf [dreg:s8], $0x2FFFF;
	_ =	strace $0x9FFFFFFF  }
0xc4: {  	(tm) =	ssettm $0x7FFFFFFF  }
0xc5: {  	_ =	shalt  }
tec
execute0_lowered:
.L_overlay_start_1:
0x0: {  	(tag) =	ssettag $0x1  }
0x1: {  	s3 =	rddreg [dreg:$0x0]  }
0x2: {  	s1 =	srdreg.scid;
	s5 =	rddreg [dreg:$0x1]  }
0x3: {  	s0 =	stileid.u32;
	s7 =	rddreg [dreg:$0x2];
	s6 =	sand.u32 $0x1, s1  }
0x4: {  	s2 =	simm.s32 $0x0;
	s4 =	sshll.u32 s0, $0x8;
	s8 =	sshll.u32 s6, $0x7  }
0x5: {  	[smem:$0x7FF] =	sst s2;
	s8 =	sor.u32 s8, s4  }
0x6: {  	s1 =	rddreg [dreg:$0x3];
	_ =	strace $0x8000004A;
	s4 =	sshll.u32 s8, $0x4  }
0x7: {  	s9 =	ssub.s32 $0x2, s6;
	s3 =	sadd.s32 s3, s4;
	s4 =	simm.s32 $0x2  }
0x8: {  	[tilespmem:s2], [sflag:$0x2] =	stream.linear.gather [hbm4b:s3+s2], $0x4000, $0x38;
	[tilespmem:$0x4080] =	vst v63  }
0x9: {  	s6 =	simm.s32 $0x4000;
	s10 =	sshrl.u32 s9, $0x1;
	_ =	swait.ge [sflag:s4], $0x4000  }
0xa: {  	s30 =	sshrl.u32 s8, $0x3;
	s31 =	ssub.s32 s9, s10;
	[sflag:s4] =	ssyncset.done $0x0  }
0xb: {  	s5 =	sadd.s32 s5, s30;
	s10 =	smax.u32 s31, $0x1;
	[sflag:s4] =	ssyncadd.s32 $0xFFFFC000  }
0xc: {  	[tilespmem:s6], [sflag:$0x2] =	stream.linear.gather [hbm4b:s5+s2], $0x80, $0x38;
	[tilespmem:$0x4080] =	vst v63  }
0xd: {  	p0 =	sne.s32 s10, $0x1;
	_ =	swait.ge [sflag:s4], $0x80  }
.Ltmp0:
0xe: {  	s7 =	sadd.s32 $0x43400, s7;
	[sflag:s4] =	ssyncset.done $0x0;
	(pc) =	sbr.rel @!p0 .LBB2_2-.Ltmp0, $4  }
0xf: {  	s9 =	simm.s32 $0x80;
	s8 =	simm.s32 $0x1;
	[sflag:s4] =	ssyncadd.s32 $0xFFFFFF80  }
0x10: {  	[hbm4b:s7+s9] =	stream.indirect.scatter [tilespmem:s2], [sflag:$0x1], $0x80, s6, s9, $0xb8;
	[tilespmem:$0x4080] =	vst v63  }
0x11: {  	_ =	swait.ge [sflag:s8], $0x4000  }
0x12: {  	s10 =	sadd.s32 $0xFFFFFFFF, s10;
	[sflag:s8] =	ssyncset.done $0x0  }
.LBB2_1:
0x13: {  	p0 =	sne.s32 s10, $0x1;
	s10 =	sadd.s32 $0xFFFFFFFF, s10;
	[sflag:s8] =	ssyncadd.s32 $0xFFFFC000  }
0x14: {  	[tilespmem:s2], [sflag:$0x2] =	stream.linear.gather [hbm4b:s3+s2], $0x4000, $0x38;
	[tilespmem:$0x4080] =	vst v63  }
0x15: {  	_ =	swait.ge [sflag:s4], $0x4000  }
0x16: {  	[sflag:s4] =	ssyncset.done $0x0  }
0x17: {  	[sflag:s4] =	ssyncadd.s32 $0xFFFFC000  }
0x18: {  	[tilespmem:s6], [sflag:$0x2] =	stream.linear.gather [hbm4b:s5+s2], $0x80, $0x38;
	[tilespmem:$0x4080] =	vst v63  }
0x19: {  	_ =	swait.ge [sflag:s4], $0x80  }
.Ltmp1:
0x1a: {  	[sflag:s4] =	ssyncset.done $0x0;
	(pc) =	sbr.rel @p0 .LBB2_1-.Ltmp1, $4  }
0x1b: {  	[sflag:s4] =	ssyncadd.s32 $0xFFFFFF80  }
0x1c: {  	[hbm4b:s7+s9] =	stream.indirect.scatter [tilespmem:s2], [sflag:$0x1], $0x80, s6, s9, $0xb8;
	[tilespmem:$0x4080] =	vst v63  }
0x1d: {  	_ =	swait.ge [sflag:s8], $0x4000  }
0x1e: {  	[sflag:s8] =	ssyncset.done $0x0  }
.LBB2_2:
0x1f: {  	[sflag:s8] =	ssyncadd.s32 $0xFFFFC000  }
0x20: {  	_ =	sfence.sel $0x180000  }
0x21: {  	[bflag:$0x0] =	sbarrier.arrive $0xFFFF  }
0x22: {  	p0 =	sne.s32 s0, $0x0;
	_ =	strace $0x9000004A  }
0x23: {  	s0 =	sadd.s32 @!p0 $0x100000, s1;
	[bflag:$0x2] =	sbarrier.arrive $0xFFFF  }
0x24: {  	[sflag:s0] =	ssyncadd.tile.s32 @!p0 $0x1;
	_ =	shalt  }
.Lfunc_end2:
_tile_overlayer_lowered:
.L_overlay_start_2:
0x25: {  	(tag) =	ssettag $0x2  }
0x26: {  	s0 =	rddreg [dreg:$0x0];
	s2 =	stileid.u32  }
0x27: {  	s1 =	rddreg [dreg:$0x1];
	p0 =	sne.s32 s2, $0x0  }
0x28: {  	s3 =	rddreg [dreg:$0x2];
	[bflag:$0x3] =	sbarrier.arrive $0xFFFF;
	s2 =	simm.s32 @!p0 $0x1C02  }
0x29: {  	[timem:s3], [sflag:s2] =	dma.local @!p0 [hbm:s0], s1  }
0x2a: {  	s0 =	simm.s32 @!p0 $0x2  }
0x2b: {  	_ =	swait.ge @!p0 [sflag:s0], s1  }
0x2c: {  	s1 =	ssub.s32 @!p0 $0x0, s1;
	[sflag:s0] =	ssyncset.done @!p0 $0x0  }
0x2d: {  	[sflag:s0] =	ssyncadd.s32 @!p0 s1  }
0x2e: {  	[bflag:$0x3] =	sbarrier.arrive $0xFFFF  }
0x2f: {  	_ =	shalt  }

// kernel: kernel.7.cloned.1.call-start
scs
__scs_entry_jumppad:
0x0: {  	(pc) =	sbr.rel $0x88, $3  }
0x1: {  	(tag) =	ssettag $0x0;
	lr =	simm.s32 $0x1  }
0x2: {  	[smem:$0x3F95] =	sst lr;
	_ =	strace $0xD0000000  }
0x3: {  	_ = 	snop  }
0x4: {  	_ = 	snop  }
0x5: {  	_ = 	snop  }
0x6: {  	_ = 	snop  }
0x7: {  	_ = 	snop  }
__scs_overlays_trampoline_lowered:
0x8: {  	[smem:$0x3FA4] =	sst s0  }
0x9: {  	[smem:$0x3FA5] =	sst s1  }
0xa: {  	[smem:$0x3FA6] =	sst s2  }
0xb: {  	[smem:$0x3FA7] =	sst s3  }
0xc: {  	[smem:$0x3FA8] =	sst s4  }
0xd: {  	[smem:$0x3FA9] =	sst s5  }
0xe: {  	[smem:$0x3FAA] =	sst s6  }
0xf: {  	[smem:$0x3FAB] =	sst s7  }
0x10: {  	[smem:$0x3FAC] =	sst s8  }
0x11: {  	[smem:$0x3FAD] =	sst s9;
	s0 =	simm.s32 @!p0 $0x0  }
0x12: {  	s1 =	sld [smem:$0x3F93];
	s0 =	simm.s32 @p0 $0x1  }
0x13: {  	[smem:$0x3FAE] =	sst s0;
	s0 =	simm.s32 @!p1 $0x0  }
0x14: {  	s2 =	sld [smem:$0x3F92];
	s0 =	simm.s32 @p1 $0x1  }
0x15: {  	[smem:$0x3FAF] =	sst s0;
	s0 =	simm.s32 @!p2 $0x0  }
0x16: {  	s3 =	sld [smem:$0x3FDB];
	s0 =	simm.s32 @p2 $0x1  }
0x17: {  	s4 =	simm.s32 $0x1BF5;
	[smem:$0x3FB1] =	sst s0  }
0x18: {  	s0 =	sld [smem:$0x3F94];
	_ =	swait.ge [sflag:s4], $0x0  }
0x19: {  	s7 =	sld [smem:$0x3F95]  }
0x1a: {  	s8 =	sadd.s32 $0xFFFFE003, lr  }
0x1b: {  	s9 =	sadd.s32 $0xFFFFFEF7, lr;
	s5 =	simm.s32 $0xFFFFFFFF;
	p2 =	slt.u32 s8, $0xFFFFF086  }
0x1c: {  	p1 =	slt.u32 s9, $0xF7A;
	s5 =	simm.s32 @!p2 $0x0  }
0x1d: {  	s5 =	simm.s32 @p1 $0x1;
	p0 =	seq.s32 s7, s2  }
0x1e: {  	s7 =	smul.u32 @!p0 $0xF7A, s2;
	p2 =	seq.s32 @!p0 s5, $0x0  }
0x1f: {  	s9 =	smul.u32 $0xF7A, s1;
	s8 =	simm.s32 @!p0 $0x1BF5;
	p2 =	por !p2, p0  }
0x20: {  	[sflag:s8] =	ssyncset.s32 @!p0 $0xFFFFF086;
	s6 =	sadd.s32 @!p0 s3, s7;
	s7 =	simm.s32 @!p0 $0x108  }
0x21: {  	s3 =	sadd.s32 s3, s9;
	s6 =	sadd.s32 @!p0 $0x88, s6;
	s7 =	simm.s32 @p2 $0x1082  }
0x22: {  	[simem:s7], [sflag:s8] =	dma.local @!p0 [hbm:s6], $0xF7A  }
0x23: {  	s9 =	sor.u32 $0xD0000000, s2;
	s6 =	simm.s32 $0x108;
	_ =	swait.ge @!p0 [sflag:s8], $0x0  }
0x24: {  	s3 =	sadd.s32 $0x88, s3;
	s6 =	simm.s32 @!p1 $0x1082;
	[sflag:s4] =	ssyncset.s32 $0xFFFFF086  }
0x25: {  	[simem:s6], [sflag:s4] =	dma.local [hbm:s3], $0xF7A  }
0x26: {  	[smem:$0x3F95] =	sst s1;
	(tag) =	ssettag s2;
	_ =	strace s9  }
0x27: {  	s1 =	sld [smem:$0x3FA5]  }
0x28: {  	s2 =	sld [smem:$0x3FA6]  }
0x29: {  	s4 =	sld [smem:$0x3FA8]  }
0x2a: {  	p0 =	seq.s32 s5, $0x0;
	s5 =	sld [smem:$0x3FA9]  }
0x2b: {  	s6 =	sld [smem:$0x3FAA]  }
0x2c: {  	s7 =	sld [smem:$0x3FAB]  }
0x2d: {  	s3 =	simm.s32 $0x108;
	s8 =	sld [smem:$0x3FAC]  }
0x2e: {  	s3 =	simm.s32 @!p0 $0x1082;
	s9 =	sld [smem:$0x3FAD]  }
0x2f: {  	lr =	sadd.s32 s0, s3;
	s0 =	sld [smem:$0x3FA4]  }
0x30: {  	s3 =	sld [smem:$0x3FA7]  }
0x31: {  	[smem:$0x3FB0] =	sst s10  }
0x32: {  	s10 =	sld [smem:$0x3FAE];
	_ =	sdelay $0x3  }
0x33: {  	p0 =	seq.s32 s10, $0x1;
	s10 =	sld [smem:$0x3FB0];
	_ =	sdelay $0x3  }
0x34: {  	[smem:$0x3FB0] =	sst s10  }
0x35: {  	s10 =	sld [smem:$0x3FAF];
	_ =	sdelay $0x3  }
0x36: {  	p1 =	seq.s32 s10, $0x1;
	s10 =	sld [smem:$0x3FB0];
	_ =	sdelay $0x3  }
0x37: {  	[smem:$0x3FB0] =	sst s10  }
0x38: {  	s10 =	sld [smem:$0x3FB1]  }
0x39: {  	_ = 	snop;
	(pc) =	sbr.ind lr, $3  }
0x3a: {  	_ = 	snop  }
0x3b: {  	_ = 	snop  }
0x3c: {  	p2 =	seq.s32 s10, $0x1;
	s10 =	sld [smem:$0x3FB0]  }
0x3d: {  	_ =	shalt  }
0x3e: {  	_ =	shalt  }
0x3f: {  	_ =	shalt  }
0x40: {  	_ =	shalt  }
0x41: {  	_ =	shalt  }
0x42: {  	_ =	shalt  }
0x43: {  	_ =	shalt  }
0x44: {  	_ =	shalt  }
0x45: {  	_ =	shalt  }
0x46: {  	_ =	shalt  }
0x47: {  	_ =	shalt  }
0x48: {  	_ =	shalt  }
0x49: {  	_ =	shalt  }
0x4a: {  	_ =	shalt  }
0x4b: {  	_ =	shalt  }
0x4c: {  	_ =	shalt  }
0x4d: {  	_ =	shalt  }
0x4e: {  	_ =	shalt  }
0x4f: {  	_ =	shalt  }
0x50: {  	_ =	shalt  }
0x51: {  	_ =	shalt  }
0x52: {  	_ =	shalt  }
0x53: {  	_ =	shalt  }
0x54: {  	_ =	shalt  }
0x55: {  	_ =	shalt  }
0x56: {  	_ =	shalt  }
0x57: {  	_ =	shalt  }
0x58: {  	_ =	shalt  }
0x59: {  	_ =	shalt  }
0x5a: {  	_ =	shalt  }
0x5b: {  	_ =	shalt  }
0x5c: {  	_ =	shalt  }
0x5d: {  	_ =	shalt  }
0x5e: {  	_ =	shalt  }
0x5f: {  	_ =	shalt  }
0x60: {  	_ =	shalt  }
0x61: {  	_ =	shalt  }
0x62: {  	_ =	shalt  }
0x63: {  	_ =	shalt  }
0x64: {  	_ =	shalt  }
0x65: {  	_ =	shalt  }
0x66: {  	_ =	shalt  }
0x67: {  	_ =	shalt  }
0x68: {  	_ =	shalt  }
0x69: {  	_ =	shalt  }
0x6a: {  	_ =	shalt  }
0x6b: {  	_ =	shalt  }
0x6c: {  	_ =	shalt  }
0x6d: {  	_ =	shalt  }
0x6e: {  	_ =	shalt  }
0x6f: {  	_ =	shalt  }
0x70: {  	_ =	shalt  }
0x71: {  	_ =	shalt  }
0x72: {  	_ =	shalt  }
0x73: {  	_ =	shalt  }
0x74: {  	_ =	shalt  }
0x75: {  	_ =	shalt  }
0x76: {  	_ =	shalt  }
0x77: {  	_ =	shalt  }
0x78: {  	_ =	shalt  }
0x79: {  	_ =	shalt  }
0x7a: {  	_ =	shalt  }
0x7b: {  	_ =	shalt  }
0x7c: {  	_ =	shalt  }
0x7d: {  	_ =	shalt  }
0x7e: {  	_ =	shalt  }
0x7f: {  	_ =	shalt  }
0x80: {  	_ =	shalt  }
0x81: {  	_ =	shalt  }
0x82: {  	_ =	shalt  }
0x83: {  	_ =	shalt  }
0x84: {  	_ =	shalt  }
0x85: {  	_ =	shalt  }
0x86: {  	_ =	shalt  }
0x87: {  	_ =	shalt  }
.Lfunc_end0:
.L_simem_size_0:
called_computation_lowered:
.L_overlay_start_0:
0x88: {  	s2 =	sld [smem:$0x3FD9]  }
0x89: {  	s3 =	sld [smem:$0x3FFE];
	_ =	sdelay $0x1  }
0x8a: {  	s1 =	srdreg.scid  }
0x8b: {  	s0 =	sand.u32 $0x1, s1  }
0x8c: {  	s17 =	sshll.u32 s0, $0xA;
	s2 =	sadd.s32 s3, s2  }
0x8d: {  	s2 =	sadd.s32 s2, s17  }
0x8e: {  	[smem:$0x3FBC] =	sst s2  }
0x8f: {  	_ = 	snop  }
0x90: {  	s2 =	sld [smem:$0x3FC8]  }
0x91: {  	s18 =	sld [smem:$0x3FC6]  }
0x92: {  	s4 =	sld [smem:$0x3FC5]  }
0x93: {  	s5 =	sld [smem:$0x3FC4]  }
0x94: {  	s6 =	sld [smem:$0x3FD0];
	(tm) =	ssettm $0x1  }
0x95: {  	s7 =	sld [smem:$0x3FFB];
	_ =	sdelay $0x3  }
0x96: {  	_ =	strace s7  }
0x97: {  	s7 =	sld [smem:$0x3FFC];
	_ =	sdelay $0x3  }
0x98: {  	_ =	strace s7  }
0x99: {  	s7 =	sld [smem:$0x3FFD];
	_ =	sdelay $0x3  }
0x9a: {  	_ =	strace s7  }
0x9b: {  	_ =	strace $0x8FFFFFFF  }
0x9c: {  	s19 =	sld [smem:$0x3FDB];
	_ =	sdelay $0x1  }
0x9d: {  	s8 =	simm.s32 $_scs_section_size  }
0x9e: {  	s9 =	simm.s32 $_size__tile_overlayer_lowered;
	s10 =	simm.s32 $_tile_overlayer_lowered  }
0x9f: {  	s22 =	simm.s32 $0x1BFF;
	s21 =	sshll.u32 s10, $0x1;
	s7 =	sadd.s32 s8, s19  }
0xa0: {  	s11 =	simm.s32 $0x0;
	s20 =	sshll.u32 s9, $0x1;
	s9 =	sadd.s32 s21, s7  }
0xa1: {  	[timem:s11], [sflag:s22] =	dma.local [hbm:s9], s20  }
0xa2: {  	_ =	swait.ge [sflag:s22], s20  }
0xa3: {  	s8 =	ssub.s32 $0x0, s20;
	[sflag:s22] =	ssyncset.done $0x0  }
0xa4: {  	[sflag:s22] =	ssyncadd.s32 s8;
	_ =	sdelay $0x1  }
0xa5: {  	s23 =	simm.s32 $0x1B8B  }
0xa6: {  	_ =	swait.ge [sflag:s23], $0x1  }
0xa7: {  	[sflag:s23] =	ssyncset.done $0x0  }
0xa8: {  	s25 =	simm.s32 $0x1B8E;
	s24 =	sld [smem:$0x3FFE];
	[sflag:s23] =	ssyncadd.s32 $0xFFFFFFFF  }
0xa9: {  	s26 =	simm.s32 $execute0_lowered;
	[smem:$0x3FD2] =	sst s25  }
0xaa: {  	s9 =	sshll.u32 s26, $0x1;
	_ =	strace $0x80000046;
	[dreg:$0x1] =	wrdreg $0xFFFFFFFF  }
0xab: {  	s28 =	simm.s32 $_size_execute0_lowered;
	s7 =	sadd.s32 s7, s9;
	[dreg:$0x0] =	wrdreg $0x0  }
0xac: {  	s9 =	sshll.u32 s28, $0x1;
	[dreg:$0x2] =	wrdreg s7  }
0xad: {  	[dreg:$0x3] =	wrdreg s9  }
0xae: {  	[dreg:$0x4] =	wrdreg $0xC0  }
0xaf: {  	_ =	task [dreg:s11], $0x5FFFF  }
0xb0: {  	[dreg:$0x1] =	wrdreg $0xFFFFFFFF  }
0xb1: {  	[dreg:$0x0] =	wrdreg $0x60  }
0xb2: {  	[dreg:$0x2] =	wrdreg s2  }
0xb3: {  	[dreg:$0x3] =	wrdreg s24  }
0xb4: {  	[dreg:$0x4] =	wrdreg s4  }
0xb5: {  	[dreg:$0x5] =	wrdreg s6  }
0xb6: {  	[dreg:$0x6] =	wrdreg s5  }
0xb7: {  	[dreg:$0x7] =	wrdreg s18  }
0xb8: {  	[dreg:$0x8] =	wrdreg $0x9  }
0xb9: {  	_ =	task.clear_ibuf [dreg:s11], $0x9FFFF;
	_ =	strace $0x90000046  }
0xba: {  	s29 =	simm.s32 $0x9;
	_ =	strace $0x80000048  }
0xbb: {  	_ =	swait.ge [sflag:s29], $0x1  }
0xbc: {  	[sflag:s29] =	ssyncadd.s32 $0xFFFFFFFF  }
0xbd: {  	_ =	strace $0x90000048  }
0xbe: {  	_ =	sfence  }
0xbf: {  	s30 =	sld [smem:$0x0];
	_ =	sdelay $0x2  }
0xc0: {  	s31 =	sshll.u32 s1, $0xD;
	s1 =	sshrl.u32 s1, $0x2  }
0xc1: {  	s3 =	sand.u32 $0x4000, s31;
	s1 =	sadd.s32 s1, s30  }
0xc2: {  	s0 =	sor.u32 s3, s0;
	s1 =	sshll.u32 s1, $0x11  }
0xc3: {  	s0 =	sor.u32 s1, s0  }
0xc4: {  	s0 =	sadd.s32 $0x8F2B, s0  }
0xc5: {  	[sflag:s0] =	ssyncadd.remote.s32 $0x1  }
0xc6: {  	_ =	sfence.sel $0xFFFF  }
0xc7: {  	[dreg:$0x0] =	wrdreg $0xFFFFFFFF;
	(pc) =	sbr.abs _section_cstart, $3  }
0xc8: {  	[dreg:$0x1] =	wrdreg $0xFFFFFFFF  }
0xc9: {  	_ =	task.clear_ibuf [dreg:s11], $0x2FFFF;
	_ =	strace $0x9FFFFFFF  }
0xca: {  	(tm) =	ssettm $0x7FFFFFFF  }
0xcb: {  	_ =	shalt  }
tec
execute0_lowered:
.L_overlay_start_1:
0x0: {  	(tag) =	ssettag $0x1  }
0x1: {  	s7 =	rddreg [dreg:$0x0]  }
0x2: {  	s18 =	rddreg [dreg:$0x1]  }
0x3: {  	s1 =	rddreg [dreg:$0x2]  }
0x4: {  	s2 =	rddreg [dreg:$0x3];
	s3 =	srdreg.scid  }
0x5: {  	s4 =	rddreg [dreg:$0x4];
	s0 =	stileid.u32;
	s25 =	sand.u32 $0x1, s3  }
0x6: {  	s5 =	rddreg [dreg:$0x5];
	s8 =	sshll.u32 s0, $0x8;
	s9 =	sshll.u32 s25, $0x7  }
0x7: {  	s6 =	simm.s32 $0x0;
	s3 =	rddreg [dreg:$0x6];
	s19 =	sor.u32 s9, s8  }
0x8: {  	[smem:$0x7FF] =	sst s6;
	s8 =	sshrl.u32 s19, $0x3  }
0x9: {  	_ =	strace $0x80000047;
	s23 =	sadd.s32 s8, s18;
	s7 =	sadd.s32 s7, s8  }
0xa: {  	[tilespmem:s6], [sflag:$0x1] =	stream.linear.gather [hbm4b:s7+s6], $0x80, $0x38;
	[tilespmem:$0xFA00] =	vst v63  }
0xb: {  	s9 =	simm.s32 $0x80;
	s8 =	sadd.s32 $0x2A00, s23  }
0xc: {  	[tilespmem:s9], [sflag:$0x1] =	stream.linear.gather [hbm4b:s8+s6], $0x80, $0x38;
	[tilespmem:$0xFA00] =	vst v63  }
0xd: {  	s10 =	simm.s32 $0xC180  }
0xe: {  	[tilespmem:s10], [sflag:$0x1] =	stream.linear.gather [hbm4b:s4+s6], $0x2780, $0x38;
	[tilespmem:$0xFA00] =	vst v63  }
0xf: {  	s12 =	simm.s32 $0xE900;
	s11 =	simm.s32 $0x1  }
0x10: {  	[tilespmem:s12], [sflag:$0x1] =	stream.linear.gather [hbm4b:s5+s6], $0x1000, $0x38;
	[tilespmem:$0xFA00] =	vst v63  }
0x11: {  	_ =	swait.ge [sflag:s11], $0x80  }
0x12: {  	[sflag:s11] =	ssyncset.done $0x0  }
0x13: {  	[sflag:s11] =	ssyncadd.s32 $0xFFFFFF80  }
0x14: {  	_ =	swait.ge [sflag:s11], $0x80  }
0x15: {  	[sflag:s11] =	ssyncset.done $0x0  }
0x16: {  	[sflag:s11] =	ssyncadd.s32 $0xFFFFFF80  }
0x17: {  	_ =	swait.ge [sflag:s11], $0x2780  }
0x18: {  	[sflag:s11] =	ssyncset.done $0x0  }
0x19: {  	[sflag:s11] =	ssyncadd.s32 $0xFFFFD880  }
0x1a: {  	_ =	swait.ge [sflag:s11], $0x1000  }
0x1b: {  	[sflag:s11] =	ssyncset.done $0x0  }
0x1c: {  	[sflag:s11] =	ssyncadd.s32 $0xFFFFF000  }
0x1d: {  	v0 =	vld [tilespmem:$0x0];
	_ =	sdelay $0x5  }
0x1e: {  	v2 =	vld [tilespmem:$0x80];
	v1 =	vshrl.u32 v0, $0x1  }
0x1f: {  	[tilespmem:$0x100] =	vst v1  }
0x20: {  	v0 =	vld.idx.msk [tilespmem:v0+s10+$0x0], $0xffff;
	_ =	sdelay $0x3  }
0x21: {  	v43 =	vld [tilespmem:$0x10]  }
0x22: {  	[tilespmem:$0xF900] =	vst v0  }
0x23: {  	v0 =	vld.idx.msk [tilespmem:v2+s12+$0x0], $0xffff;
	_ =	sdelay $0x2  }
0x24: {  	v44 =	vshrl.u32 v43, $0x1  }
0x25: {  	v45 =	vld [tilespmem:$0x90];
	[tilespmem:$0x110] =	vst v44  }
0x26: {  	[tilespmem:$0xF980] =	vst v0  }
0x27: {  	v0 =	vld.idx.msk [tilespmem:v43+s10+$0x0], $0xffff;
	_ =	sdelay $0x3  }
0x28: {  	v46 =	vld [tilespmem:$0x20]  }
0x29: {  	[tilespmem:$0xF910] =	vst v0  }
0x2a: {  	v0 =	vld.idx.msk [tilespmem:v45+s12+$0x0], $0xffff;
	_ =	sdelay $0x2  }
0x2b: {  	v47 =	vshrl.u32 v46, $0x1  }
0x2c: {  	v48 =	vld [tilespmem:$0xA0];
	[tilespmem:$0x120] =	vst v47  }
0x2d: {  	[tilespmem:$0xF990] =	vst v0  }
0x2e: {  	v0 =	vld.idx.msk [tilespmem:v46+s10+$0x0], $0xffff;
	_ =	sdelay $0x3  }
0x2f: {  	v49 =	vld [tilespmem:$0x30]  }
0x30: {  	[tilespmem:$0xF920] =	vst v0  }
0x31: {  	v0 =	vld.idx.msk [tilespmem:v48+s12+$0x0], $0xffff;
	_ =	sdelay $0x2  }
0x32: {  	v50 =	vshrl.u32 v49, $0x1  }
0x33: {  	v51 =	vld [tilespmem:$0xB0];
	[tilespmem:$0x130] =	vst v50  }
0x34: {  	[tilespmem:$0xF9A0] =	vst v0  }
0x35: {  	v0 =	vld.idx.msk [tilespmem:v49+s10+$0x0], $0xffff;
	_ =	sdelay $0x3  }
0x36: {  	v52 =	vld [tilespmem:$0x40]  }
0x37: {  	[tilespmem:$0xF930] =	vst v0  }
0x38: {  	v0 =	vld.idx.msk [tilespmem:v51+s12+$0x0], $0xffff;
	_ =	sdelay $0x2  }
0x39: {  	v53 =	vshrl.u32 v52, $0x1  }
0x3a: {  	v54 =	vld [tilespmem:$0xC0];
	[tilespmem:$0x140] =	vst v53  }
0x3b: {  	[tilespmem:$0xF9B0] =	vst v0  }
0x3c: {  	v0 =	vld.idx.msk [tilespmem:v52+s10+$0x0], $0xffff;
	_ =	sdelay $0x3  }
0x3d: {  	v55 =	vld [tilespmem:$0x50]  }
0x3e: {  	[tilespmem:$0xF940] =	vst v0  }
0x3f: {  	v0 =	vld.idx.msk [tilespmem:v54+s12+$0x0], $0xffff;
	_ =	sdelay $0x2  }
0x40: {  	v56 =	vshrl.u32 v55, $0x1  }
0x41: {  	v57 =	vld [tilespmem:$0xD0];
	[tilespmem:$0x150] =	vst v56  }
0x42: {  	[tilespmem:$0xF9C0] =	vst v0  }
0x43: {  	v0 =	vld.idx.msk [tilespmem:v55+s10+$0x0], $0xffff;
	_ =	sdelay $0x3  }
0x44: {  	v58 =	vld [tilespmem:$0x60]  }
0x45: {  	[tilespmem:$0xF950] =	vst v0  }
0x46: {  	v0 =	vld.idx.msk [tilespmem:v57+s12+$0x0], $0xffff;
	_ =	sdelay $0x2  }
0x47: {  	v59 =	vshrl.u32 v58, $0x1  }
0x48: {  	v60 =	vld [tilespmem:$0xE0];
	[tilespmem:$0x160] =	vst v59  }
0x49: {  	[tilespmem:$0xF9D0] =	vst v0  }
0x4a: {  	v0 =	vld.idx.msk [tilespmem:v58+s10+$0x0], $0xffff;
	_ =	sdelay $0x3  }
0x4b: {  	v61 =	vld [tilespmem:$0x70]  }
0x4c: {  	[tilespmem:$0xF960] =	vst v0  }
0x4d: {  	v0 =	vld.idx.msk [tilespmem:v60+s12+$0x0], $0xffff;
	_ =	sdelay $0x2  }
0x4e: {  	v62 =	vshrl.u32 v61, $0x1  }
0x4f: {  	v63 =	vld [tilespmem:$0xF0];
	[tilespmem:$0x170] =	vst v62  }
0x50: {  	[tilespmem:$0xF9E0] =	vst v0  }
0x51: {  	v0 =	vld.idx.msk [tilespmem:v61+s10+$0x0], $0xffff;
	_ =	sdelay $0x4  }
0x52: {  	[tilespmem:$0xF970] =	vst v0  }
0x53: {  	v0 =	vld.idx.msk [tilespmem:v63+s12+$0x0], $0xffff;
	_ =	sdelay $0x4  }
0x54: {  	s13 =	simm.s32 $0x180;
	[tilespmem:$0xF9F0] =	vst v0  }
0x55: {  	[tilespmem:s13], [sflag:$0x1] =	stream.indirect.gather [hbm4b:s1+s9], $0x80, s6, s9, $0xb8;
	[tilespmem:$0xFA00] =	vst v63  }
0x56: {  	s14 =	simm.s32 $0x100;
	s15 =	simm.s32 $0x4180  }
0x57: {  	[tilespmem:s15], [sflag:$0x1] =	stream.indirect.gather [hbm4b:s2+s9], $0x80, s14, s9, $0xb8;
	[tilespmem:$0xFA00] =	vst v63  }
0x58: {  	s17 =	simm.s32 $0x8180;
	s16 =	sadd.s32 $0x2C00, s18  }
0x59: {  	[tilespmem:s17], [sflag:$0x1] =	stream.indirect.gather [hbm4b:s16+s9], $0x80, s9, s9, $0xb8;
	[tilespmem:$0xFA00] =	vst v63  }
0x5a: {  	_ =	swait.ge [sflag:s11], $0x4000  }
0x5b: {  	[sflag:s11] =	ssyncset.done $0x0  }
0x5c: {  	[sflag:s11] =	ssyncadd.s32 $0xFFFFC000  }
0x5d: {  	_ =	swait.ge [sflag:s11], $0x4000  }
0x5e: {  	[sflag:s11] =	ssyncset.done $0x0  }
0x5f: {  	[sflag:s11] =	ssyncadd.s32 $0xFFFFC000  }
0x60: {  	s19 =	sshll.u32 s19, $0x4;
	_ =	swait.ge [sflag:s11], $0x4000  }
0x61: {  	s20 =	sadd.s32 s19, s18;
	[sflag:s11] =	ssyncset.done $0x0  }
0x62: {  	s18 =	sadd.s32 $0x13000, s20;
	[sflag:s11] =	ssyncadd.s32 $0xFFFFC000  }
0x63: {  	[hbm4b:s18+s6] =	stream.linear.scatter [tilespmem:s13], [sflag:$0x1], $0x4000, $0x38;
	[tilespmem:$0xFA00] =	vst v63  }
0x64: {  	s19 =	sadd.s32 $0x23000, s20  }
0x65: {  	[hbm4b:s19+s6] =	stream.linear.scatter [tilespmem:s15], [sflag:$0x1], $0x4000, $0x38;
	[tilespmem:$0xFA00] =	vst v63  }
0x66: {  	s20 =	sadd.s32 $0x33000, s20  }
0x67: {  	[hbm4b:s20+s6] =	stream.linear.scatter [tilespmem:s17], [sflag:$0x1], $0x4000, $0x38;
	[tilespmem:$0xFA00] =	vst v63  }
0x68: {  	s22 =	simm.s32 $0xF900;
	s21 =	sadd.s32 $0x12C00, s23  }
0x69: {  	[hbm4b:s21+s6] =	stream.linear.scatter [tilespmem:s22], [sflag:$0x1], $0x80, $0x38;
	[tilespmem:$0xFA00] =	vst v63  }
0x6a: {  	s24 =	simm.s32 $0xF980;
	s23 =	sadd.s32 $0x12E00, s23  }
0x6b: {  	[hbm4b:s23+s6] =	stream.linear.scatter [tilespmem:s24], [sflag:$0x1], $0x80, $0x38;
	[tilespmem:$0xFA00] =	vst v63  }
0x6c: {  	_ =	swait.ge [sflag:s11], $0x4000  }
0x6d: {  	[sflag:s11] =	ssyncset.done $0x0  }
0x6e: {  	[sflag:s11] =	ssyncadd.s32 $0xFFFFC000  }
0x6f: {  	_ =	swait.ge [sflag:s11], $0x4000  }
0x70: {  	s25 =	ssub.s32 $0x2, s25;
	[sflag:s11] =	ssyncset.done $0x0  }
0x71: {  	s26 =	sshrl.u32 s25, $0x1;
	[sflag:s11] =	ssyncadd.s32 $0xFFFFC000  }
0x72: {  	s25 =	ssub.s32 s25, s26;
	_ =	swait.ge [sflag:s11], $0x4000  }
0x73: {  	s25 =	smax.u32 s25, $0x1;
	[sflag:s11] =	ssyncset.done $0x0  }
0x74: {  	p0 =	sne.s32 s25, $0x1;
	[sflag:s11] =	ssyncadd.s32 $0xFFFFC000  }
.Ltmp0:
0x75: {  	_ =	swait.ge [sflag:s11], $0x80;
	(pc) =	sbr.rel @!p0 .LBB2_2-.Ltmp0, $4  }
0x76: {  	[sflag:s11] =	ssyncset.done $0x0  }
0x77: {  	[sflag:s11] =	ssyncadd.s32 $0xFFFFFF80  }
0x78: {  	_ =	swait.ge [sflag:s11], $0x80  }
0x79: {  	s25 =	sadd.s32 $0xFFFFFFFF, s25;
	[sflag:s11] =	ssyncset.done $0x0  }
.LBB2_1:
0x7a: {  	p0 =	sne.s32 s25, $0x1;
	s25 =	sadd.s32 $0xFFFFFFFF, s25;
	[sflag:s11] =	ssyncadd.s32 $0xFFFFFF80  }
0x7b: {  	[tilespmem:s6], [sflag:$0x1] =	stream.linear.gather [hbm4b:s7+s6], $0x80, $0x38;
	[tilespmem:$0xFA00] =	vst v63  }
0x7c: {  	_ = 	snop  }
0x7d: {  	[tilespmem:s9], [sflag:$0x1] =	stream.linear.gather [hbm4b:s8+s6], $0x80, $0x38;
	[tilespmem:$0xFA00] =	vst v63  }
0x7e: {  	_ = 	snop  }
0x7f: {  	[tilespmem:s10], [sflag:$0x1] =	stream.linear.gather [hbm4b:s4+s6], $0x2780, $0x38;
	[tilespmem:$0xFA00] =	vst v63  }
0x80: {  	_ = 	snop  }
0x81: {  	[tilespmem:s12], [sflag:$0x1] =	stream.linear.gather [hbm4b:s5+s6], $0x1000, $0x38;
	[tilespmem:$0xFA00] =	vst v63  }
0x82: {  	_ =	swait.ge [sflag:s11], $0x80  }
0x83: {  	[sflag:s11] =	ssyncset.done $0x0  }
0x84: {  	[sflag:s11] =	ssyncadd.s32 $0xFFFFFF80  }
0x85: {  	_ =	swait.ge [sflag:s11], $0x80  }
0x86: {  	[sflag:s11] =	ssyncset.done $0x0  }
0x87: {  	[sflag:s11] =	ssyncadd.s32 $0xFFFFFF80  }
0x88: {  	_ =	swait.ge [sflag:s11], $0x2780  }
0x89: {  	[sflag:s11] =	ssyncset.done $0x0  }
0x8a: {  	[sflag:s11] =	ssyncadd.s32 $0xFFFFD880  }
0x8b: {  	_ =	swait.ge [sflag:s11], $0x1000  }
0x8c: {  	[sflag:s11] =	ssyncset.done $0x0  }
0x8d: {  	[sflag:s11] =	ssyncadd.s32 $0xFFFFF000  }
0x8e: {  	v0 =	vld [tilespmem:$0x0];
	_ =	sdelay $0x4  }
0x8f: {  	v1 =	vshrl.u32 v0, $0x1;
	_ =	sdelay $0x1  }
0x90: {  	v2 =	vld [tilespmem:$0x80];
	[tilespmem:$0x100] =	vst v1  }
0x91: {  	v0 =	vld.idx.msk [tilespmem:v0+s10+$0x0], $0xffff;
	_ =	sdelay $0x5  }
0x92: {  	[tilespmem:$0xF900] =	vst v0;
	v0 =	vld [tilespmem:$0x10]  }
0x93: {  	v1 =	vld.idx.msk [tilespmem:v2+s12+$0x0], $0xffff;
	_ =	sdelay $0x3  }
0x94: {  	v2 =	vshrl.u32 v0, $0x1  }
0x95: {  	[tilespmem:$0x110] =	vst v2  }
0x96: {  	[tilespmem:$0xF980] =	vst v1;
	v1 =	vld [tilespmem:$0x90]  }
0x97: {  	v0 =	vld.idx.msk [tilespmem:v0+s10+$0x0], $0xffff;
	_ =	sdelay $0x5  }
0x98: {  	[tilespmem:$0xF910] =	vst v0;
	v0 =	vld [tilespmem:$0x20]  }
0x99: {  	v1 =	vld.idx.msk [tilespmem:v1+s12+$0x0], $0xffff;
	_ =	sdelay $0x3  }
0x9a: {  	v2 =	vshrl.u32 v0, $0x1  }
0x9b: {  	[tilespmem:$0x120] =	vst v2  }
0x9c: {  	[tilespmem:$0xF990] =	vst v1;
	v1 =	vld [tilespmem:$0xA0]  }
0x9d: {  	v0 =	vld.idx.msk [tilespmem:v0+s10+$0x0], $0xffff;
	_ =	sdelay $0x5  }
0x9e: {  	[tilespmem:$0xF920] =	vst v0;
	v0 =	vld [tilespmem:$0x30]  }
0x9f: {  	v1 =	vld.idx.msk [tilespmem:v1+s12+$0x0], $0xffff;
	_ =	sdelay $0x3  }
0xa0: {  	v2 =	vshrl.u32 v0, $0x1  }
0xa1: {  	[tilespmem:$0x130] =	vst v2  }
0xa2: {  	[tilespmem:$0xF9A0] =	vst v1;
	v1 =	vld [tilespmem:$0xB0]  }
0xa3: {  	v0 =	vld.idx.msk [tilespmem:v0+s10+$0x0], $0xffff;
	_ =	sdelay $0x5  }
0xa4: {  	[tilespmem:$0xF930] =	vst v0;
	v0 =	vld [tilespmem:$0x40]  }
0xa5: {  	v1 =	vld.idx.msk [tilespmem:v1+s12+$0x0], $0xffff;
	_ =	sdelay $0x3  }
0xa6: {  	v2 =	vshrl.u32 v0, $0x1  }
0xa7: {  	[tilespmem:$0x140] =	vst v2  }
0xa8: {  	[tilespmem:$0xF9B0] =	vst v1;
	v1 =	vld [tilespmem:$0xC0]  }
0xa9: {  	v0 =	vld.idx.msk [tilespmem:v0+s10+$0x0], $0xffff;
	_ =	sdelay $0x1  }
0xaa: {  	v2 =	vld [tilespmem:$0x50];
	_ =	sdelay $0x3  }
0xab: {  	[tilespmem:$0xF940] =	vst v0  }
0xac: {  	v0 =	vld.idx.msk [tilespmem:v1+s12+$0x0], $0xffff;
	v1 =	vshrl.u32 v2, $0x1  }
0xad: {  	[tilespmem:$0x150] =	vst v1;
	_ =	sdelay $0x4  }
0xae: {  	[tilespmem:$0xF9C0] =	vst v0;
	v0 =	vld [tilespmem:$0xD0]  }
0xaf: {  	v1 =	vld.idx.msk [tilespmem:v2+s10+$0x0], $0xffff;
	_ =	sdelay $0x1  }
0xb0: {  	v2 =	vld [tilespmem:$0x60];
	_ =	sdelay $0x3  }
0xb1: {  	[tilespmem:$0xF950] =	vst v1  }
0xb2: {  	v0 =	vld.idx.msk [tilespmem:v0+s12+$0x0], $0xffff;
	v1 =	vshrl.u32 v2, $0x1  }
0xb3: {  	[tilespmem:$0x160] =	vst v1;
	_ =	sdelay $0x4  }
0xb4: {  	[tilespmem:$0xF9D0] =	vst v0;
	v0 =	vld [tilespmem:$0xE0]  }
0xb5: {  	v1 =	vld.idx.msk [tilespmem:v2+s10+$0x0], $0xffff;
	_ =	sdelay $0x1  }
0xb6: {  	v2 =	vld [tilespmem:$0x70];
	_ =	sdelay $0x3  }
0xb7: {  	[tilespmem:$0xF960] =	vst v1  }
0xb8: {  	v0 =	vld.idx.msk [tilespmem:v0+s12+$0x0], $0xffff;
	v1 =	vshrl.u32 v2, $0x1  }
0xb9: {  	[tilespmem:$0x170] =	vst v1;
	_ =	sdelay $0x4  }
0xba: {  	[tilespmem:$0xF9E0] =	vst v0;
	v0 =	vld [tilespmem:$0xF0]  }
0xbb: {  	v1 =	vld.idx.msk [tilespmem:v2+s10+$0x0], $0xffff;
	_ =	sdelay $0x5  }
0xbc: {  	[tilespmem:$0xF970] =	vst v1  }
0xbd: {  	v0 =	vld.idx.msk [tilespmem:v0+s12+$0x0], $0xffff;
	_ =	sdelay $0x5  }
0xbe: {  	[tilespmem:$0xF9F0] =	vst v0  }
0xbf: {  	[tilespmem:s13], [sflag:$0x1] =	stream.indirect.gather [hbm4b:s1+s9], $0x80, s6, s9, $0xb8;
	[tilespmem:$0xFA00] =	vst v63  }
0xc0: {  	_ = 	snop  }
0xc1: {  	[tilespmem:s15], [sflag:$0x1] =	stream.indirect.gather [hbm4b:s2+s9], $0x80, s14, s9, $0xb8;
	[tilespmem:$0xFA00] =	vst v63  }
0xc2: {  	_ = 	snop  }
0xc3: {  	[tilespmem:s17], [sflag:$0x1] =	stream.indirect.gather [hbm4b:s16+s9], $0x80, s9, s9, $0xb8;
	[tilespmem:$0xFA00] =	vst v63  }
0xc4: {  	_ =	swait.ge [sflag:s11], $0x4000  }
0xc5: {  	[sflag:s11] =	ssyncset.done $0x0  }
0xc6: {  	[sflag:s11] =	ssyncadd.s32 $0xFFFFC000  }
0xc7: {  	_ =	swait.ge [sflag:s11], $0x4000  }
0xc8: {  	[sflag:s11] =	ssyncset.done $0x0  }
0xc9: {  	[sflag:s11] =	ssyncadd.s32 $0xFFFFC000  }
0xca: {  	_ =	swait.ge [sflag:s11], $0x4000  }
0xcb: {  	[sflag:s11] =	ssyncset.done $0x0  }
0xcc: {  	[sflag:s11] =	ssyncadd.s32 $0xFFFFC000  }
0xcd: {  	[hbm4b:s18+s6] =	stream.linear.scatter [tilespmem:s13], [sflag:$0x1], $0x4000, $0x38;
	[tilespmem:$0xFA00] =	vst v63  }
0xce: {  	_ = 	snop  }
0xcf: {  	[hbm4b:s19+s6] =	stream.linear.scatter [tilespmem:s15], [sflag:$0x1], $0x4000, $0x38;
	[tilespmem:$0xFA00] =	vst v63  }
0xd0: {  	_ = 	snop  }
0xd1: {  	[hbm4b:s20+s6] =	stream.linear.scatter [tilespmem:s17], [sflag:$0x1], $0x4000, $0x38;
	[tilespmem:$0xFA00] =	vst v63  }
0xd2: {  	_ = 	snop  }
0xd3: {  	[hbm4b:s21+s6] =	stream.linear.scatter [tilespmem:s22], [sflag:$0x1], $0x80, $0x38;
	[tilespmem:$0xFA00] =	vst v63  }
0xd4: {  	_ = 	snop  }
0xd5: {  	[hbm4b:s23+s6] =	stream.linear.scatter [tilespmem:s24], [sflag:$0x1], $0x80, $0x38;
	[tilespmem:$0xFA00] =	vst v63  }
0xd6: {  	_ =	swait.ge [sflag:s11], $0x4000  }
0xd7: {  	[sflag:s11] =	ssyncset.done $0x0  }
0xd8: {  	[sflag:s11] =	ssyncadd.s32 $0xFFFFC000  }
0xd9: {  	_ =	swait.ge [sflag:s11], $0x4000  }
0xda: {  	[sflag:s11] =	ssyncset.done $0x0  }
0xdb: {  	[sflag:s11] =	ssyncadd.s32 $0xFFFFC000  }
0xdc: {  	_ =	swait.ge [sflag:s11], $0x4000  }
0xdd: {  	[sflag:s11] =	ssyncset.done $0x0  }
0xde: {  	[sflag:s11] =	ssyncadd.s32 $0xFFFFC000  }
.Ltmp1:
0xdf: {  	_ =	swait.ge [sflag:s11], $0x80;
	(pc) =	sbr.rel @p0 .LBB2_1-.Ltmp1, $4  }
0xe0: {  	[sflag:s11] =	ssyncset.done $0x0  }
0xe1: {  	[sflag:s11] =	ssyncadd.s32 $0xFFFFFF80  }
0xe2: {  	_ =	swait.ge [sflag:s11], $0x80  }
0xe3: {  	[sflag:s11] =	ssyncset.done $0x0  }
.LBB2_2:
0xe4: {  	[sflag:s11] =	ssyncadd.s32 $0xFFFFFF80  }
0xe5: {  	_ =	sfence.sel $0x180000  }
0xe6: {  	[bflag:$0x0] =	sbarrier.arrive $0xFFFF  }
0xe7: {  	p0 =	sne.s32 s0, $0x0;
	_ =	strace $0x90000047  }
0xe8: {  	s0 =	sadd.s32 @!p0 $0x100000, s3;
	[bflag:$0x2] =	sbarrier.arrive $0xFFFF  }
0xe9: {  	[sflag:s0] =	ssyncadd.tile.s32 @!p0 $0x1;
	_ =	shalt  }
.Lfunc_end2:
_tile_overlayer_lowered:
.L_overlay_start_2:
0xea: {  	(tag) =	ssettag $0x2  }
0xeb: {  	s0 =	rddreg [dreg:$0x0];
	s2 =	stileid.u32  }
0xec: {  	s1 =	rddreg [dreg:$0x1];
	p0 =	sne.s32 s2, $0x0  }
0xed: {  	s3 =	rddreg [dreg:$0x2];
	[bflag:$0x3] =	sbarrier.arrive $0xFFFF;
	s2 =	simm.s32 @!p0 $0x1C02  }
0xee: {  	[timem:s3], [sflag:s2] =	dma.local @!p0 [hbm:s0], s1  }
0xef: {  	s0 =	simm.s32 @!p0 $0x2  }
0xf0: {  	_ =	swait.ge @!p0 [sflag:s0], s1  }
0xf1: {  	s1 =	ssub.s32 @!p0 $0x0, s1;
	[sflag:s0] =	ssyncset.done @!p0 $0x0  }
0xf2: {  	[sflag:s0] =	ssyncadd.s32 @!p0 s1  }
0xf3: {  	[bflag:$0x3] =	sbarrier.arrive $0xFFFF  }
0xf4: {  	_ =	shalt  }

</sc_bundles>
